<compile_context>
chip_gen: v7x
topology: tpu7x:2x2x1
jax: 0.10.2.dev20260603
libtpu: 0.0.44.dev20260713+nightly
codegen_flags: <defaults>
</compile_context>

<pallas_src>
import functools

import jax
import jax.numpy as jnp
from jax import lax
from jax.experimental import pallas as pl
from jax.experimental.pallas import tpu as pltpu
from jax.experimental.pallas import tpu_sc as plsc

N = 10000
E = 320000
F = 128
NC, NS, L = 2, 16, 16
NW = NC * NS
EPW = E // NW
C = 80
NCHUNK = EPW // C
ROW1 = 144
ROW2 = 48
NP = 10112
RPT = NP // NS

_mesh = plsc.VectorSubcoreMesh(core_axis_name="c", subcore_axis_name="s")


def _tc_a_body(x_ref, w1_ref, ys_ref, yd_ref, h_ref, asn_ref, adn_ref):
    h = jnp.dot(x_ref[...], w1_ref[...], preferred_element_type=jnp.float32)
    h_ref[...] = h
    asn_ref[...] = jnp.dot(h, ys_ref[...], preferred_element_type=jnp.float32)
    adn_ref[...] = jnp.dot(h, yd_ref[...], preferred_element_type=jnp.float32)


def _tc_a(x, w1, ys, yd):
    blk = 1000
    return pl.pallas_call(
        _tc_a_body,
        grid=(N // blk,),
        in_specs=[
            pl.BlockSpec((blk, F), lambda i: (i, 0)),
            pl.BlockSpec((F, F), lambda i: (0, 0)),
            pl.BlockSpec((F, 16), lambda i: (0, 0)),
            pl.BlockSpec((F, 16), lambda i: (0, 0)),
        ],
        out_specs=[
            pl.BlockSpec((blk, F), lambda i: (i, 0)),
            pl.BlockSpec((blk, 16), lambda i: (i, 0)),
            pl.BlockSpec((blk, 16), lambda i: (i, 0)),
        ],
        out_shape=[
            jax.ShapeDtypeStruct((N, F), jnp.float32),
            jax.ShapeDtypeStruct((N, 16), jnp.float32),
            jax.ShapeDtypeStruct((N, 16), jnp.float32),
        ],
    )(x, w1, ys, yd)


@functools.partial(
    pl.kernel,
    mesh=_mesh,
    compiler_params=pltpu.CompilerParams(use_tc_tiling_on_sc=False, needs_layout_passes=False),
    out_type=jax.ShapeDtypeStruct((NC, NP, ROW1), jnp.float32),
    scratch_types=[
        pltpu.VMEM((C,), jnp.int32),
        pltpu.VMEM((C,), jnp.int32),
        pltpu.VMEM((C, 16), jnp.float32),
        pltpu.VMEM((C, 16), jnp.float32),
        pltpu.VMEM((C, F), jnp.float32),
        pltpu.VMEM((C, ROW1), jnp.float32),
        pltpu.VMEM_SHARED((NP, ROW1), jnp.float32),
        pltpu.SemaphoreType.DMA,
    ],
)
def _sc_edge1(src_hbm, dst_hbm, asn_hbm, adn_hbm, h_hbm, zz_hbm, out_hbm,
              src_v, dst_v, as_v, ad_v, h_v, row_v, acc_sh, sem):
    cid = lax.axis_index("c")
    sid = lax.axis_index("s")
    wid = cid * NS + sid

    pltpu.sync_copy(zz_hbm, acc_sh.at[pl.ds(sid * RPT, RPT)])
    plsc.subcore_barrier()

    mask8 = jnp.where(lax.iota(jnp.int32, L) < 8, 1.0, 0.0)

    def chunk(j, _):
        base = wid * EPW + j * C
        pltpu.sync_copy(src_hbm.at[pl.ds(base, C)], src_v)
        pltpu.sync_copy(dst_hbm.at[pl.ds(base, C)], dst_v)
        hcp = pltpu.async_copy(h_hbm.at[src_v], h_v, sem)
        pltpu.sync_copy(asn_hbm.at[src_v], as_v)
        pltpu.sync_copy(adn_hbm.at[dst_v], ad_v)

        def wbody(c, _):
            s = as_v[c, :] + ad_v[c, :]
            e = jnp.where(s >= 0.0, s, 0.2 * s)
            row_v[c, pl.ds(F, L)] = jnp.exp(e) * mask8
            return _

        lax.fori_loop(0, C, wbody, None, unroll=4)
        hcp.wait()

        def sbody(c, _):
            wv = row_v[c, pl.ds(F, L)]
            for k in range(8):
                w_s = wv[k]
                row_v[c, pl.ds(16 * k, 16)] = h_v[c, pl.ds(16 * k, 16)] * w_s
            return _

        lax.fori_loop(0, C, sbody, None)
        pltpu.sync_copy(row_v, acc_sh.at[dst_v], add=True)
        return _

    lax.fori_loop(0, NCHUNK, chunk, None)
    plsc.subcore_barrier()
    pltpu.sync_copy(acc_sh.at[pl.ds(sid * RPT, RPT)],
                    out_hbm.at[cid, pl.ds(sid * RPT, RPT)])


def _tc_b_body(acc_ref, p_ref, b1_ref, sc1_ref, sh1_ref, w2_ref, c2_ref,
               h2p_ref, a2_ref):
    a = acc_ref[0] + acc_ref[1]
    num = a[:, :F]
    den = a[:, F:F + 8]
    denf = jnp.dot(den, p_ref[...], preferred_element_type=jnp.float32)
    h1 = jax.nn.relu(num / (denf + 1e-16) + b1_ref[...])
    hb = h1 * sc1_ref[...] + sh1_ref[...]
    h2p = jnp.dot(hb, w2_ref[...], preferred_element_type=jnp.float32)
    h2p_ref[...] = h2p
    a2_ref[...] = jnp.dot(h2p, c2_ref[...], preferred_element_type=jnp.float32)


def _tc_b(acc1, p, b1, sc1, sh1, w2, c2):
    blk = 1000
    return pl.pallas_call(
        _tc_b_body,
        grid=(N // blk,),
        in_specs=[
            pl.BlockSpec((NC, blk, ROW1), lambda i: (0, i, 0)),
            pl.BlockSpec((8, F), lambda i: (0, 0)),
            pl.BlockSpec((1, F), lambda i: (0, 0)),
            pl.BlockSpec((1, F), lambda i: (0, 0)),
            pl.BlockSpec((1, F), lambda i: (0, 0)),
            pl.BlockSpec((F, 32), lambda i: (0, 0)),
            pl.BlockSpec((32, 8), lambda i: (0, 0)),
        ],
        out_specs=[
            pl.BlockSpec((blk, 32), lambda i: (i, 0)),
            pl.BlockSpec((blk, 8), lambda i: (i, 0)),
        ],
        out_shape=[
            jax.ShapeDtypeStruct((N, 32), jnp.float32),
            jax.ShapeDtypeStruct((N, 8), jnp.float32),
        ],
    )(acc1, p, b1, sc1, sh1, w2, c2)


@functools.partial(
    pl.kernel,
    mesh=_mesh,
    compiler_params=pltpu.CompilerParams(use_tc_tiling_on_sc=False, needs_layout_passes=False),
    out_type=jax.ShapeDtypeStruct((NC, NP, ROW2), jnp.float32),
    scratch_types=[
        pltpu.VMEM((C,), jnp.int32),
        pltpu.VMEM((C,), jnp.int32),
        pltpu.VMEM((N, 8), jnp.float32),
        pltpu.VMEM((C,), jnp.float32),
        pltpu.VMEM((C, 32), jnp.float32),
        pltpu.VMEM((C, ROW2), jnp.float32),
        pltpu.VMEM_SHARED((NP, ROW2), jnp.float32),
        pltpu.SemaphoreType.DMA,
    ],
)
def _sc_edge2(src_hbm, dst_hbm, a2_hbm, h2_hbm, zz_hbm, out_hbm,
              src_v, dst_v, a2_v, w_v, h_v, row_v, acc_sh, sem):
    cid = lax.axis_index("c")
    sid = lax.axis_index("s")
    wid = cid * NS + sid

    pltpu.sync_copy(zz_hbm, acc_sh.at[pl.ds(sid * RPT, RPT)])
    pltpu.sync_copy(a2_hbm, a2_v)
    plsc.subcore_barrier()

    lane = lax.iota(jnp.int32, L)
    zero16 = jnp.zeros((L,), jnp.int32)
    one16 = jnp.ones((L,), jnp.int32)
    onehot0 = jnp.where(lane == 0, 1.0, 0.0)

    def chunk(j, _):
        base = wid * EPW + j * C
        pltpu.sync_copy(src_hbm.at[pl.ds(base, C)], src_v)
        pltpu.sync_copy(dst_hbm.at[pl.ds(base, C)], dst_v)
        hcp = pltpu.async_copy(h2_hbm.at[src_v], h_v, sem)

        def wbody(t, _):
            s16 = src_v[pl.ds(t * L, L)]
            d16 = dst_v[pl.ds(t * L, L)]
            asv = plsc.load_gather(a2_v, [s16, zero16])
            adv = plsc.load_gather(a2_v, [d16, one16])
            s = asv + adv
            e = jnp.where(s >= 0.0, s, 0.2 * s)
            w_v[pl.ds(t * L, L)] = jnp.exp(e)
            return _

        lax.fori_loop(0, C // L, wbody, None)
        hcp.wait()

        def sbody(t, _):
            wv = w_v[pl.ds(t * L, L)]
            for l in range(L):
                c = t * L + l
                w_s = wv[l]
                row_v[c, pl.ds(0, 16)] = h_v[c, pl.ds(0, 16)] * w_s
                row_v[c, pl.ds(16, 16)] = h_v[c, pl.ds(16, 16)] * w_s
                row_v[c, pl.ds(32, 16)] = onehot0 * w_s
            return _

        lax.fori_loop(0, C // L, sbody, None)
        pltpu.sync_copy(row_v, acc_sh.at[dst_v], add=True)
        return _

    lax.fori_loop(0, NCHUNK, chunk, None)
    plsc.subcore_barrier()
    pltpu.sync_copy(acc_sh.at[pl.ds(sid * RPT, RPT)],
                    out_hbm.at[cid, pl.ds(sid * RPT, RPT)])


def _tc_c_body(acc_ref, b2_ref, sc2_ref, sh2_ref, wf1_ref, bf1_ref,
               wf2_ref, bf2_ref, out_ref):
    a = acc_ref[0] + acc_ref[1]
    num = a[:, :32]
    den = a[:, 32:33]
    h2 = jax.nn.relu(num / (den + 1e-16) + b2_ref[...])
    hb = h2 * sc2_ref[...] + sh2_ref[...]
    f = jax.nn.relu(jnp.dot(hb, wf1_ref[...], preferred_element_type=jnp.float32)
                    + bf1_ref[...])
    o = jnp.dot(f, wf2_ref[...], preferred_element_type=jnp.float32) + bf2_ref[...]
    m = jnp.max(o, axis=1, keepdims=True)
    ls = jnp.log(jnp.sum(jnp.exp(o - m), axis=1, keepdims=True)) + m
    out_ref[...] = o - ls


def _tc_c(acc2, b2, sc2, sh2, wf1, bf1, wf2, bf2):
    blk = 1000
    nclass = wf2.shape[1]
    return pl.pallas_call(
        _tc_c_body,
        grid=(N // blk,),
        in_specs=[
            pl.BlockSpec((NC, blk, ROW2), lambda i: (0, i, 0)),
            pl.BlockSpec((1, 32), lambda i: (0, 0)),
            pl.BlockSpec((1, 32), lambda i: (0, 0)),
            pl.BlockSpec((1, 32), lambda i: (0, 0)),
            pl.BlockSpec((32, 32), lambda i: (0, 0)),
            pl.BlockSpec((1, 32), lambda i: (0, 0)),
            pl.BlockSpec((32, nclass), lambda i: (0, 0)),
            pl.BlockSpec((1, nclass), lambda i: (0, 0)),
        ],
        out_specs=pl.BlockSpec((blk, nclass), lambda i: (i, 0)),
        out_shape=jax.ShapeDtypeStruct((N, nclass), jnp.float32),
    )(acc2, b2, sc2, sh2, wf1, bf1, wf2, bf2)


def kernel(x, edge_index, W1, a_src1, a_dst1, b1, W2, a_src2, a_dst2, b2,
           g1, be1, rm1, rv1, g2, be2, rm2, rv2, Wf1, bf1, Wf2, bf2):
    eps = 1e-5
    src = edge_index[0].astype(jnp.int32)
    dst = edge_index[1].astype(jnp.int32)

    ys = jnp.zeros((F, 16), jnp.float32)
    ys = ys.at[:, :8].set(
        jax.scipy.linalg.block_diag(*[a_src1[k, :, None] for k in range(8)]))
    yd = jnp.zeros((F, 16), jnp.float32)
    yd = yd.at[:, :8].set(
        jax.scipy.linalg.block_diag(*[a_dst1[k, :, None] for k in range(8)]))

    p = jnp.repeat(jnp.eye(8, dtype=jnp.float32), 16, axis=1)

    sc1v = g1 / jnp.sqrt(rv1 + eps)
    sh1v = be1 - rm1 * sc1v
    sc2v = g2 / jnp.sqrt(rv2 + eps)
    sh2v = be2 - rm2 * sc2v
    c2 = jnp.stack([a_src2[0], a_dst2[0]], axis=1)
    c2 = jnp.pad(c2, ((0, 0), (0, 6)))

    h, asn, adn = _tc_a(x, W1, ys, yd)

    zz1 = jnp.zeros((RPT, ROW1), jnp.float32)
    acc1 = _sc_edge1(src, dst, asn, adn, h, zz1)

    h2p, a2 = _tc_b(acc1, p, b1.reshape(1, F), sc1v.reshape(1, F),
                    sh1v.reshape(1, F), W2, c2)

    zz2 = jnp.zeros((RPT, ROW2), jnp.float32)
    acc2 = _sc_edge2(src, dst, a2[:, :8], h2p, zz2)

    return _tc_c(acc2, b2.reshape(1, 32), sc2v.reshape(1, 32),
                 sh2v.reshape(1, 32), Wf1, bf1.reshape(1, 32),
                 Wf2, bf2.reshape(1, 40))

# --- scband reference (transcript-rebuilt; emitter-appended) ---
"""Pipeline reference for scband-gatnet-54382875902692 (READ-ONLY COPY).

The authoritative reference and input builder live on the scoring server;
editing this copy changes nothing except your own understanding.
"""

import jax, jax.numpy as jnp
import numpy as np


def gat_conv(x, edge_index, W, a_src, a_dst, bias, heads, out_ch, concat):
    N = x.shape[0]
    src = edge_index[0]
    dst = edge_index[1]
    h = (x @ W).reshape(N, heads, out_ch)
    alpha_src = (h * a_src).sum(-1)
    alpha_dst = (h * a_dst).sum(-1)
    e = alpha_src[src] + alpha_dst[dst]
    e = jax.nn.leaky_relu(e, 0.2)
    e_max = jax.ops.segment_max(e, dst, num_segments=N)
    e_max = jnp.where(jnp.isfinite(e_max), e_max, 0.0)
    ex = jnp.exp(e - e_max[dst])
    denom = jax.ops.segment_sum(ex, dst, num_segments=N)
    alpha = ex / (denom[dst] + 1e-16)
    out = jax.ops.segment_sum(h[src] * alpha[:, :, None], dst, num_segments=N)
    if concat:
        out = out.reshape(N, heads * out_ch)
    else:
        out = out.mean(axis=1)
    return out + bias


def setup_inputs(seed: int = 0):
    key = jax.random.key(seed)
    ks = jax.random.split(key, 16)
    N, E, F, C = 10000, 320000, 128, 40
    s = 0.1
    inp = {}
    inp['x'] = jax.random.normal(ks[0], (N, F), dtype=jnp.float32)
    inp['edge_index'] = jax.random.randint(ks[1], (2, E), 0, N)
    inp['W1'] = jax.random.normal(ks[2], (F, 128), dtype=jnp.float32) * s
    inp['a_src1'] = jax.random.normal(ks[3], (8, 16), dtype=jnp.float32) * s
    inp['a_dst1'] = jax.random.normal(ks[4], (8, 16), dtype=jnp.float32) * s
    inp['b1'] = jnp.zeros((128,), dtype=jnp.float32)
    inp['W2'] = jax.random.normal(ks[5], (128, 32), dtype=jnp.float32) * s
    inp['a_src2'] = jax.random.normal(ks[6], (1, 32), dtype=jnp.float32) * s
    inp['a_dst2'] = jax.random.normal(ks[7], (1, 32), dtype=jnp.float32) * s
    inp['b2'] = jnp.zeros((32,), dtype=jnp.float32)
    inp['g1'] = jnp.ones((128,), jnp.float32)
    inp['be1'] = jnp.zeros((128,), jnp.float32)
    inp['rm1'] = jax.random.normal(ks[8], (128,), jnp.float32) * 0.01
    inp['rv1'] = jax.random.uniform(ks[9], (128,), jnp.float32, 0.5, 1.5)
    inp['g2'] = jnp.ones((32,), jnp.float32)
    inp['be2'] = jnp.zeros((32,), jnp.float32)
    inp['rm2'] = jax.random.normal(ks[10], (32,), jnp.float32) * 0.01
    inp['rv2'] = jax.random.uniform(ks[11], (32,), jnp.float32, 0.5, 1.5)
    inp['Wf1'] = jax.random.normal(ks[12], (32, 32), jnp.float32) * s
    inp['bf1'] = jnp.zeros((32,), jnp.float32)
    inp['Wf2'] = jax.random.normal(ks[13], (32, C), jnp.float32) * s
    inp['bf2'] = jnp.zeros((C,), jnp.float32)
    return inp


def reference(x, edge_index, W1, a_src1, a_dst1, b1, W2, a_src2, a_dst2, b2, g1, be1, rm1, rv1, g2, be2, rm2, rv2, Wf1, bf1, Wf2, bf2):
    eps = 1e-5
    h = gat_conv(x, edge_index, W1, a_src1, a_dst1, b1, 8, 16, True)
    h = jax.nn.relu(h)
    h = (h - rm1) / jnp.sqrt(rv1 + eps) * g1 + be1
    h = gat_conv(h, edge_index, W2, a_src2, a_dst2, b2, 1, 32, False)
    h = jax.nn.relu(h)
    h = (h - rm2) / jnp.sqrt(rv2 + eps) * g2 + be2
    h = jax.nn.relu(h @ Wf1 + bf1)
    h = h @ Wf2 + bf2
    return jax.nn.log_softmax(h, axis=1)

if __name__ == "__main__":
    import jax
    _d = setup_inputs()
    print(jax.jit(kernel)(*tuple(_d.values())))

</pallas_src>

<mosaic_0001>
#map = affine_map<(d0, d1) -> (0)>
#map1 = affine_map<(d0, d1) -> (0, 0)>
#map2 = affine_map<(d0, d1) -> (0, 0, 0)>
module attributes {stable_mosaic.version = 14 : i64} {
  func.func @_sc_edge1(%arg0: i32, %arg1: i32, %arg2: memref<320000xi32, #tpu.memory_space<hbm>>, %arg3: memref<320000xi32, #tpu.memory_space<hbm>>, %arg4: memref<10000x16xf32, #tpu.memory_space<hbm>>, %arg5: memref<10000x16xf32, #tpu.memory_space<hbm>>, %arg6: memref<10000x128xf32, #tpu.memory_space<hbm>>, %arg7: memref<632x144xf32, #tpu.memory_space<hbm>>, %arg8: memref<2x10112x144xf32, #tpu.memory_space<hbm>>, %arg9: memref<80xi32, #tpu.memory_space<vmem>>, %arg10: memref<80xi32, #tpu.memory_space<vmem>>, %arg11: memref<80x16xf32, #tpu.memory_space<vmem>>, %arg12: memref<80x16xf32, #tpu.memory_space<vmem>>, %arg13: memref<80x128xf32, #tpu.memory_space<vmem>>, %arg14: memref<80x144xf32, #tpu.memory_space<vmem>>, %arg15: memref<10112x144xf32, #tpu.memory_space<vmem_shared>>, %arg16: memref<!tpu.dma_semaphore, #tpu.memory_space<semaphore_mem>>) attributes {dimension_semantics = [#tpu.dimension_semantics<core_parallel>, #tpu.dimension_semantics<subcore_parallel>], iteration_bounds = array<i64: 2, 16>, scalar_prefetch = 0 : i64, scratch_operands = 8 : i64, tpu.core_type = #tpu.core_type<sc_vector_subcore>, window_params = [{transform_indices = #map}, {transform_indices = #map}, {transform_indices = #map1}, {transform_indices = #map1}, {transform_indices = #map1}, {transform_indices = #map1}, {transform_indices = #map2}]} {
    %mul3A = arith.constant 16 : i32
    %mul3A_0 = arith.muli %arg0, %mul3A : i32
    %add3A = arith.addi %mul3A_0, %arg1 : i32
    %mul3A_1 = arith.constant 632 : i32
    %mul3A_2 = arith.muli %arg1, %mul3A_1 : i32
    "tpu.region"() ({
      %run_scoped3A = tpu.sem_alloc : memref<!tpu.dma_semaphore, #tpu.memory_space<semaphore_mem>>
      %dma_start3A = arith.constant 0 : i32
      %dma_start3A_16 = tpu.memref_slice %arg15[%mul3A_2, %dma_start3A] : memref<10112x144xf32, #tpu.memory_space<vmem_shared>> -> memref<632x144xf32, #tpu.memory_space<vmem_shared>>
      tpu.enqueue_dma source(%arg7 : memref<632x144xf32, #tpu.memory_space<hbm>>) target(%dma_start3A_16 : memref<632x144xf32, #tpu.memory_space<vmem_shared>>) target_semaphore(%run_scoped3A : memref<!tpu.dma_semaphore, #tpu.memory_space<semaphore_mem>>)
      %dma_wait3A = arith.constant 0 : i32
      %dma_wait3A_17 = tpu.memref_slice %arg15[%mul3A_2, %dma_wait3A] : memref<10112x144xf32, #tpu.memory_space<vmem_shared>> -> memref<632x144xf32, #tpu.memory_space<vmem_shared>>
      tpu.wait_dma2 semaphore(%run_scoped3A : memref<!tpu.dma_semaphore, #tpu.memory_space<semaphore_mem>>) src(%arg7 : memref<632x144xf32, #tpu.memory_space<hbm>>) dst(%dma_wait3A_17 : memref<632x144xf32, #tpu.memory_space<vmem_shared>>)
      tpu.yield
    }) : () -> ()
    %barrier3A = arith.constant 0 : index
    tpu.barrier barrier_id(%barrier3A)
    %iota3A = tpu.iota {dimensions = array<i32: 0>} : vector<16xi32>
    %lt3A = arith.constant 8 : i32
    %lt3A_3 = vector.broadcast %lt3A : i32 to vector<16xi32>
    %lt3A_4 = arith.cmpi slt, %iota3A, %lt3A_3 : vector<16xi32>
    %jit3A = arith.constant 1.000000e+00 : f32
    %jit3A_5 = arith.constant 0.000000e+00 : f32
    %broadcast_in_dim3A = vector.broadcast %jit3A : f32 to vector<16xf32>
    %broadcast_in_dim3A_6 = vector.broadcast %jit3A_5 : f32 to vector<16xf32>
    %select_n3A = arith.select %lt3A_4, %broadcast_in_dim3A, %broadcast_in_dim3A_6 : vector<16xi1>, vector<16xf32>
    %scan3A = arith.constant 0 : i32
    %scan3A_7 = arith.constant 125 : i32
    %scan3A_8 = arith.addi %scan3A, %scan3A_7 : i32
    %scan3A_9 = arith.constant 1 : i32
    scf.for %scan3A_16 = %scan3A to %scan3A_8 step %scan3A_9  : i32 {
      %mul3A_17 = arith.constant 10000 : i32
      %mul3A_18 = arith.muli %add3A, %mul3A_17 : i32
      %mul3A_19 = arith.constant 80 : i32
      %mul3A_20 = arith.muli %scan3A_16, %mul3A_19 : i32
      %add3A_21 = arith.addi %mul3A_18, %mul3A_20 : i32
      "tpu.region"() ({
        %run_scoped3A = tpu.sem_alloc : memref<!tpu.dma_semaphore, #tpu.memory_space<semaphore_mem>>
        %dma_start3A_36 = tpu.memref_slice %arg2[%add3A_21] : memref<320000xi32, #tpu.memory_space<hbm>> -> memref<80xi32, #tpu.memory_space<hbm>>
        %dma_start3A_37 = tpu.memref_slice %arg2[%add3A_21] : memref<320000xi32, #tpu.memory_space<hbm>> -> memref<80xi32, #tpu.memory_space<hbm>>
        tpu.enqueue_dma source(%dma_start3A_37 : memref<80xi32, #tpu.memory_space<hbm>>) target(%arg9 : memref<80xi32, #tpu.memory_space<vmem>>) target_semaphore(%run_scoped3A : memref<!tpu.dma_semaphore, #tpu.memory_space<semaphore_mem>>)
        %dma_wait3A_38 = tpu.memref_slice %arg2[%add3A_21] : memref<320000xi32, #tpu.memory_space<hbm>> -> memref<80xi32, #tpu.memory_space<hbm>>
        %dma_wait3A_39 = tpu.memref_slice %arg2[%add3A_21] : memref<320000xi32, #tpu.memory_space<hbm>> -> memref<80xi32, #tpu.memory_space<hbm>>
        tpu.wait_dma2 semaphore(%run_scoped3A : memref<!tpu.dma_semaphore, #tpu.memory_space<semaphore_mem>>) src(%dma_wait3A_39 : memref<80xi32, #tpu.memory_space<hbm>>) dst(%arg9 : memref<80xi32, #tpu.memory_space<vmem>>)
        tpu.yield
      }) : () -> ()
      "tpu.region"() ({
        %run_scoped3A = tpu.sem_alloc : memref<!tpu.dma_semaphore, #tpu.memory_space<semaphore_mem>>
        %dma_start3A_36 = tpu.memref_slice %arg3[%add3A_21] : memref<320000xi32, #tpu.memory_space<hbm>> -> memref<80xi32, #tpu.memory_space<hbm>>
        %dma_start3A_37 = tpu.memref_slice %arg3[%add3A_21] : memref<320000xi32, #tpu.memory_space<hbm>> -> memref<80xi32, #tpu.memory_space<hbm>>
        tpu.enqueue_dma source(%dma_start3A_37 : memref<80xi32, #tpu.memory_space<hbm>>) target(%arg10 : memref<80xi32, #tpu.memory_space<vmem>>) target_semaphore(%run_scoped3A : memref<!tpu.dma_semaphore, #tpu.memory_space<semaphore_mem>>)
        %dma_wait3A_38 = tpu.memref_slice %arg3[%add3A_21] : memref<320000xi32, #tpu.memory_space<hbm>> -> memref<80xi32, #tpu.memory_space<hbm>>
        %dma_wait3A_39 = tpu.memref_slice %arg3[%add3A_21] : memref<320000xi32, #tpu.memory_space<hbm>> -> memref<80xi32, #tpu.memory_space<hbm>>
        tpu.wait_dma2 semaphore(%run_scoped3A : memref<!tpu.dma_semaphore, #tpu.memory_space<semaphore_mem>>) src(%dma_wait3A_39 : memref<80xi32, #tpu.memory_space<hbm>>) dst(%arg10 : memref<80xi32, #tpu.memory_space<vmem>>)
        tpu.yield
      }) : () -> ()
      %dma_start3A = arith.constant 0 : i32
      %dma_start3A_22 = arith.constant 0 : i32
      %dma_start3A_23 = tpu.memref_slice %arg6[%dma_start3A, %dma_start3A_22] : memref<10000x128xf32, #tpu.memory_space<hbm>> -> memref<10000x128xf32, #tpu.memory_space<hbm>>
      tpu.enqueue_indirect_dma source(%dma_start3A_23 : memref<10000x128xf32, #tpu.memory_space<hbm>>) target(%arg13 : memref<80x128xf32, #tpu.memory_space<vmem>>) offsets(%arg9 : memref<80xi32, #tpu.memory_space<vmem>>) semaphore(%arg16 : memref<!tpu.dma_semaphore, #tpu.memory_space<semaphore_mem>>)
      "tpu.region"() ({
        %run_scoped3A = tpu.sem_alloc : memref<!tpu.dma_semaphore, #tpu.memory_space<semaphore_mem>>
        %dma_start3A_36 = arith.constant 0 : i32
        %dma_start3A_37 = arith.constant 0 : i32
        %dma_start3A_38 = tpu.memref_slice %arg4[%dma_start3A_36, %dma_start3A_37] : memref<10000x16xf32, #tpu.memory_space<hbm>> -> memref<10000x16xf32, #tpu.memory_space<hbm>>
        tpu.enqueue_indirect_dma source(%dma_start3A_38 : memref<10000x16xf32, #tpu.memory_space<hbm>>) target(%arg11 : memref<80x16xf32, #tpu.memory_space<vmem>>) offsets(%arg9 : memref<80xi32, #tpu.memory_space<vmem>>) semaphore(%run_scoped3A : memref<!tpu.dma_semaphore, #tpu.memory_space<semaphore_mem>>)
        %dma_wait3A_39 = arith.constant 0 : i32
        %dma_wait3A_40 = arith.constant 0 : i32
        %dma_wait3A_41 = tpu.memref_slice %arg4[%dma_wait3A_39, %dma_wait3A_40] : memref<10000x16xf32, #tpu.memory_space<hbm>> -> memref<10000x16xf32, #tpu.memory_space<hbm>>
        tpu.wait_indirect_dma semaphore(%run_scoped3A : memref<!tpu.dma_semaphore, #tpu.memory_space<semaphore_mem>>) src(%dma_wait3A_41 : memref<10000x16xf32, #tpu.memory_space<hbm>>) dst(%arg11 : memref<80x16xf32, #tpu.memory_space<vmem>>)
        tpu.yield
      }) : () -> ()
      "tpu.region"() ({
        %run_scoped3A = tpu.sem_alloc : memref<!tpu.dma_semaphore, #tpu.memory_space<semaphore_mem>>
        %dma_start3A_36 = arith.constant 0 : i32
        %dma_start3A_37 = arith.constant 0 : i32
        %dma_start3A_38 = tpu.memref_slice %arg5[%dma_start3A_36, %dma_start3A_37] : memref<10000x16xf32, #tpu.memory_space<hbm>> -> memref<10000x16xf32, #tpu.memory_space<hbm>>
        tpu.enqueue_indirect_dma source(%dma_start3A_38 : memref<10000x16xf32, #tpu.memory_space<hbm>>) target(%arg12 : memref<80x16xf32, #tpu.memory_space<vmem>>) offsets(%arg10 : memref<80xi32, #tpu.memory_space<vmem>>) semaphore(%run_scoped3A : memref<!tpu.dma_semaphore, #tpu.memory_space<semaphore_mem>>)
        %dma_wait3A_39 = arith.constant 0 : i32
        %dma_wait3A_40 = arith.constant 0 : i32
        %dma_wait3A_41 = tpu.memref_slice %arg5[%dma_wait3A_39, %dma_wait3A_40] : memref<10000x16xf32, #tpu.memory_space<hbm>> -> memref<10000x16xf32, #tpu.memory_space<hbm>>
        tpu.wait_indirect_dma semaphore(%run_scoped3A : memref<!tpu.dma_semaphore, #tpu.memory_space<semaphore_mem>>) src(%dma_wait3A_41 : memref<10000x16xf32, #tpu.memory_space<hbm>>) dst(%arg12 : memref<80x16xf32, #tpu.memory_space<vmem>>)
        tpu.yield
      }) : () -> ()
      %scan3A_24 = arith.constant 0 : i32
      %scan3A_25 = arith.constant 80 : i32
      %scan3A_26 = arith.addi %scan3A_24, %scan3A_25 : i32
      %scan3A_27 = arith.constant 4 : i32
      scf.for %scan3A_36 = %scan3A_24 to %scan3A_26 step %scan3A_27  : i32 {
        %get3A = arith.index_cast %scan3A_36 : i32 to index
        %get3A_37 = arith.constant 0 : index
        %get3A_38 = tpu.vector_load %arg11[%get3A, %get3A_37] {strides = array<i32>} : memref<80x16xf32, #tpu.memory_space<vmem>>, vector<16xf32>,
        %get3A_39 = arith.index_cast %scan3A_36 : i32 to index
        %get3A_40 = arith.constant 0 : index
        %get3A_41 = tpu.vector_load %arg12[%get3A_39, %get3A_40] {strides = array<i32>} : memref<80x16xf32, #tpu.memory_space<vmem>>, vector<16xf32>,
        %add3A_42 = arith.addf %get3A_38, %get3A_41 : vector<16xf32>
        %ge3A = arith.constant 0.000000e+00 : f32
        %ge3A_43 = vector.broadcast %ge3A : f32 to vector<16xf32>
        %ge3A_44 = arith.cmpf oge, %add3A_42, %ge3A_43 : vector<16xf32>
        %mul3A_45 = arith.constant 2.000000e-01 : f32
        %mul3A_46 = vector.broadcast %mul3A_45 : f32 to vector<16xf32>
        %mul3A_47 = arith.mulf %mul3A_46, %add3A_42 : vector<16xf32>
        %select_n3A_48 = arith.select %ge3A_44, %add3A_42, %mul3A_47 : vector<16xi1>, vector<16xf32>
        %exp3A = math.exp %select_n3A_48 : vector<16xf32>
        %mul3A_49 = arith.mulf %exp3A, %select_n3A : vector<16xf32>
        %swap3A = arith.index_cast %scan3A_36 : i32 to index
        %swap3A_50 = arith.constant 128 : index
        %swap3A_51 = tpu.vector_load %arg14[%swap3A, %swap3A_50] {strides = array<i32>} : memref<80x144xf32, #tpu.memory_space<vmem>>, vector<16xf32>,
        tpu.vector_store %arg14[%swap3A, %swap3A_50], %mul3A_49 {strides = array<i32>} : memref<80x144xf32, #tpu.memory_space<vmem>>, vector<16xf32>,
        %scan3A_52 = arith.constant 1 : i32
        %scan3A_53 = arith.addi %scan3A_36, %scan3A_52 : i32
        %get3A_54 = arith.index_cast %scan3A_53 : i32 to index
        %get3A_55 = arith.constant 0 : index
        %get3A_56 = tpu.vector_load %arg11[%get3A_54, %get3A_55] {strides = array<i32>} : memref<80x16xf32, #tpu.memory_space<vmem>>, vector<16xf32>,
        %get3A_57 = arith.index_cast %scan3A_53 : i32 to index
        %get3A_58 = arith.constant 0 : index
        %get3A_59 = tpu.vector_load %arg12[%get3A_57, %get3A_58] {strides = array<i32>} : memref<80x16xf32, #tpu.memory_space<vmem>>, vector<16xf32>,
        %add3A_60 = arith.addf %get3A_56, %get3A_59 : vector<16xf32>
        %ge3A_61 = arith.constant 0.000000e+00 : f32
        %ge3A_62 = vector.broadcast %ge3A_61 : f32 to vector<16xf32>
        %ge3A_63 = arith.cmpf oge, %add3A_60, %ge3A_62 : vector<16xf32>
        %mul3A_64 = arith.constant 2.000000e-01 : f32
        %mul3A_65 = vector.broadcast %mul3A_64 : f32 to vector<16xf32>
        %mul3A_66 = arith.mulf %mul3A_65, %add3A_60 : vector<16xf32>
        %select_n3A_67 = arith.select %ge3A_63, %add3A_60, %mul3A_66 : vector<16xi1>, vector<16xf32>
        %exp3A_68 = math.exp %select_n3A_67 : vector<16xf32>
        %mul3A_69 = arith.mulf %exp3A_68, %select_n3A : vector<16xf32>
        %swap3A_70 = arith.index_cast %scan3A_53 : i32 to index
        %swap3A_71 = arith.constant 128 : index
        %swap3A_72 = tpu.vector_load %arg14[%swap3A_70, %swap3A_71] {strides = array<i32>} : memref<80x144xf32, #tpu.memory_space<vmem>>, vector<16xf32>,
        tpu.vector_store %arg14[%swap3A_70, %swap3A_71], %mul3A_69 {strides = array<i32>} : memref<80x144xf32, #tpu.memory_space<vmem>>, vector<16xf32>,
        %scan3A_73 = arith.constant 2 : i32
        %scan3A_74 = arith.addi %scan3A_36, %scan3A_73 : i32
        %get3A_75 = arith.index_cast %scan3A_74 : i32 to index
        %get3A_76 = arith.constant 0 : index
        %get3A_77 = tpu.vector_load %arg11[%get3A_75, %get3A_76] {strides = array<i32>} : memref<80x16xf32, #tpu.memory_space<vmem>>, vector<16xf32>,
        %get3A_78 = arith.index_cast %scan3A_74 : i32 to index
        %get3A_79 = arith.constant 0 : index
        %get3A_80 = tpu.vector_load %arg12[%get3A_78, %get3A_79] {strides = array<i32>} : memref<80x16xf32, #tpu.memory_space<vmem>>, vector<16xf32>,
        %add3A_81 = arith.addf %get3A_77, %get3A_80 : vector<16xf32>
        %ge3A_82 = arith.constant 0.000000e+00 : f32
        %ge3A_83 = vector.broadcast %ge3A_82 : f32 to vector<16xf32>
        %ge3A_84 = arith.cmpf oge, %add3A_81, %ge3A_83 : vector<16xf32>
        %mul3A_85 = arith.constant 2.000000e-01 : f32
        %mul3A_86 = vector.broadcast %mul3A_85 : f32 to vector<16xf32>
        %mul3A_87 = arith.mulf %mul3A_86, %add3A_81 : vector<16xf32>
        %select_n3A_88 = arith.select %ge3A_84, %add3A_81, %mul3A_87 : vector<16xi1>, vector<16xf32>
        %exp3A_89 = math.exp %select_n3A_88 : vector<16xf32>
        %mul3A_90 = arith.mulf %exp3A_89, %select_n3A : vector<16xf32>
        %swap3A_91 = arith.index_cast %scan3A_74 : i32 to index
        %swap3A_92 = arith.constant 128 : index
        %swap3A_93 = tpu.vector_load %arg14[%swap3A_91, %swap3A_92] {strides = array<i32>} : memref<80x144xf32, #tpu.memory_space<vmem>>, vector<16xf32>,
        tpu.vector_store %arg14[%swap3A_91, %swap3A_92], %mul3A_90 {strides = array<i32>} : memref<80x144xf32, #tpu.memory_space<vmem>>, vector<16xf32>,
        %scan3A_94 = arith.constant 3 : i32
        %scan3A_95 = arith.addi %scan3A_36, %scan3A_94 : i32
        %get3A_96 = arith.index_cast %scan3A_95 : i32 to index
        %get3A_97 = arith.constant 0 : index
        %get3A_98 = tpu.vector_load %arg11[%get3A_96, %get3A_97] {strides = array<i32>} : memref<80x16xf32, #tpu.memory_space<vmem>>, vector<16xf32>,
        %get3A_99 = arith.index_cast %scan3A_95 : i32 to index
        %get3A_100 = arith.constant 0 : index
        %get3A_101 = tpu.vector_load %arg12[%get3A_99, %get3A_100] {strides = array<i32>} : memref<80x16xf32, #tpu.memory_space<vmem>>, vector<16xf32>,
        %add3A_102 = arith.addf %get3A_98, %get3A_101 : vector<16xf32>
        %ge3A_103 = arith.constant 0.000000e+00 : f32
        %ge3A_104 = vector.broadcast %ge3A_103 : f32 to vector<16xf32>
        %ge3A_105 = arith.cmpf oge, %add3A_102, %ge3A_104 : vector<16xf32>
        %mul3A_106 = arith.constant 2.000000e-01 : f32
        %mul3A_107 = vector.broadcast %mul3A_106 : f32 to vector<16xf32>
        %mul3A_108 = arith.mulf %mul3A_107, %add3A_102 : vector<16xf32>
        %select_n3A_109 = arith.select %ge3A_105, %add3A_102, %mul3A_108 : vector<16xi1>, vector<16xf32>
        %exp3A_110 = math.exp %select_n3A_109 : vector<16xf32>
        %mul3A_111 = arith.mulf %exp3A_110, %select_n3A : vector<16xf32>
        %swap3A_112 = arith.index_cast %scan3A_95 : i32 to index
        %swap3A_113 = arith.constant 128 : index
        %swap3A_114 = tpu.vector_load %arg14[%swap3A_112, %swap3A_113] {strides = array<i32>} : memref<80x144xf32, #tpu.memory_space<vmem>>, vector<16xf32>,
        tpu.vector_store %arg14[%swap3A_112, %swap3A_113], %mul3A_111 {strides = array<i32>} : memref<80x144xf32, #tpu.memory_space<vmem>>, vector<16xf32>,
      }
      %scan3A_28 = arith.constant 80 : i32
      %dma_wait3A = arith.constant 0 : i32
      %dma_wait3A_29 = arith.constant 0 : i32
      %dma_wait3A_30 = tpu.memref_slice %arg6[%dma_wait3A, %dma_wait3A_29] : memref<10000x128xf32, #tpu.memory_space<hbm>> -> memref<10000x128xf32, #tpu.memory_space<hbm>>
      tpu.wait_indirect_dma semaphore(%arg16 : memref<!tpu.dma_semaphore, #tpu.memory_space<semaphore_mem>>) src(%dma_wait3A_30 : memref<10000x128xf32, #tpu.memory_space<hbm>>) dst(%arg13 : memref<80x128xf32, #tpu.memory_space<vmem>>)
      %scan3A_31 = arith.constant 0 : i32
      %scan3A_32 = arith.constant 80 : i32
      %scan3A_33 = arith.addi %scan3A_31, %scan3A_32 : i32
      %scan3A_34 = arith.constant 1 : i32
      scf.for %scan3A_36 = %scan3A_31 to %scan3A_33 step %scan3A_34  : i32 {
        %get3A = arith.index_cast %scan3A_36 : i32 to index
        %get3A_37 = arith.constant 128 : index
        %get3A_38 = tpu.vector_load %arg14[%get3A, %get3A_37] {strides = array<i32>} : memref<80x144xf32, #tpu.memory_space<vmem>>, vector<16xf32>,
        %slice3A = vector.extract_strided_slice %get3A_38 {offsets = [0], sizes = [1], strides = [1]} : vector<16xf32> to vector<1xf32>
        %squeeze3A = vector.extract %slice3A[0] : f32 from vector<1xf32>
        %get3A_39 = arith.index_cast %scan3A_36 : i32 to index
        %get3A_40 = arith.constant 0 : index
        %get3A_41 = tpu.vector_load %arg13[%get3A_39, %get3A_40] {strides = array<i32>} : memref<80x128xf32, #tpu.memory_space<vmem>>, vector<16xf32>,
        %mul3A_42 = vector.broadcast %squeeze3A : f32 to vector<16xf32>
        %mul3A_43 = arith.mulf %get3A_41, %mul3A_42 : vector<16xf32>
        %swap3A = arith.index_cast %scan3A_36 : i32 to index
        %swap3A_44 = arith.constant 0 : index
        %swap3A_45 = tpu.vector_load %arg14[%swap3A, %swap3A_44] {strides = array<i32>} : memref<80x144xf32, #tpu.memory_space<vmem>>, vector<16xf32>,
        tpu.vector_store %arg14[%swap3A, %swap3A_44], %mul3A_43 {strides = array<i32>} : memref<80x144xf32, #tpu.memory_space<vmem>>, vector<16xf32>,
        %slice3A_46 = vector.extract_strided_slice %get3A_38 {offsets = [1], sizes = [1], strides = [1]} : vector<16xf32> to vector<1xf32>
        %squeeze3A_47 = vector.extract %slice3A_46[0] : f32 from vector<1xf32>
        %get3A_48 = arith.index_cast %scan3A_36 : i32 to index
        %get3A_49 = arith.constant 16 : index
        %get3A_50 = tpu.vector_load %arg13[%get3A_48, %get3A_49] {strides = array<i32>} : memref<80x128xf32, #tpu.memory_space<vmem>>, vector<16xf32>,
        %mul3A_51 = vector.broadcast %squeeze3A_47 : f32 to vector<16xf32>
        %mul3A_52 = arith.mulf %get3A_50, %mul3A_51 : vector<16xf32>
        %swap3A_53 = arith.index_cast %scan3A_36 : i32 to index
        %swap3A_54 = arith.constant 16 : index
        %swap3A_55 = tpu.vector_load %arg14[%swap3A_53, %swap3A_54] {strides = array<i32>} : memref<80x144xf32, #tpu.memory_space<vmem>>, vector<16xf32>,
        tpu.vector_store %arg14[%swap3A_53, %swap3A_54], %mul3A_52 {strides = array<i32>} : memref<80x144xf32, #tpu.memory_space<vmem>>, vector<16xf32>,
        %slice3A_56 = vector.extract_strided_slice %get3A_38 {offsets = [2], sizes = [1], strides = [1]} : vector<16xf32> to vector<1xf32>
        %squeeze3A_57 = vector.extract %slice3A_56[0] : f32 from vector<1xf32>
        %get3A_58 = arith.index_cast %scan3A_36 : i32 to index
        %get3A_59 = arith.constant 32 : index
        %get3A_60 = tpu.vector_load %arg13[%get3A_58, %get3A_59] {strides = array<i32>} : memref<80x128xf32, #tpu.memory_space<vmem>>, vector<16xf32>,
        %mul3A_61 = vector.broadcast %squeeze3A_57 : f32 to vector<16xf32>
        %mul3A_62 = arith.mulf %get3A_60, %mul3A_61 : vector<16xf32>
        %swap3A_63 = arith.index_cast %scan3A_36 : i32 to index
        %swap3A_64 = arith.constant 32 : index
        %swap3A_65 = tpu.vector_load %arg14[%swap3A_63, %swap3A_64] {strides = array<i32>} : memref<80x144xf32, #tpu.memory_space<vmem>>, vector<16xf32>,
        tpu.vector_store %arg14[%swap3A_63, %swap3A_64], %mul3A_62 {strides = array<i32>} : memref<80x144xf32, #tpu.memory_space<vmem>>, vector<16xf32>,
        %slice3A_66 = vector.extract_strided_slice %get3A_38 {offsets = [3], sizes = [1], strides = [1]} : vector<16xf32> to vector<1xf32>
        %squeeze3A_67 = vector.extract %slice3A_66[0] : f32 from vector<1xf32>
        %get3A_68 = arith.index_cast %scan3A_36 : i32 to index
        %get3A_69 = arith.constant 48 : index
        %get3A_70 = tpu.vector_load %arg13[%get3A_68, %get3A_69] {strides = array<i32>} : memref<80x128xf32, #tpu.memory_space<vmem>>, vector<16xf32>,
        %mul3A_71 = vector.broadcast %squeeze3A_67 : f32 to vector<16xf32>
        %mul3A_72 = arith.mulf %get3A_70, %mul3A_71 : vector<16xf32>
        %swap3A_73 = arith.index_cast %scan3A_36 : i32 to index
        %swap3A_74 = arith.constant 48 : index
        %swap3A_75 = tpu.vector_load %arg14[%swap3A_73, %swap3A_74] {strides = array<i32>} : memref<80x144xf32, #tpu.memory_space<vmem>>, vector<16xf32>,
        tpu.vector_store %arg14[%swap3A_73, %swap3A_74], %mul3A_72 {strides = array<i32>} : memref<80x144xf32, #tpu.memory_space<vmem>>, vector<16xf32>,
        %slice3A_76 = vector.extract_strided_slice %get3A_38 {offsets = [4], sizes = [1], strides = [1]} : vector<16xf32> to vector<1xf32>
        %squeeze3A_77 = vector.extract %slice3A_76[0] : f32 from vector<1xf32>
        %get3A_78 = arith.index_cast %scan3A_36 : i32 to index
        %get3A_79 = arith.constant 64 : index
        %get3A_80 = tpu.vector_load %arg13[%get3A_78, %get3A_79] {strides = array<i32>} : memref<80x128xf32, #tpu.memory_space<vmem>>, vector<16xf32>,
        %mul3A_81 = vector.broadcast %squeeze3A_77 : f32 to vector<16xf32>
        %mul3A_82 = arith.mulf %get3A_80, %mul3A_81 : vector<16xf32>
        %swap3A_83 = arith.index_cast %scan3A_36 : i32 to index
        %swap3A_84 = arith.constant 64 : index
        %swap3A_85 = tpu.vector_load %arg14[%swap3A_83, %swap3A_84] {strides = array<i32>} : memref<80x144xf32, #tpu.memory_space<vmem>>, vector<16xf32>,
        tpu.vector_store %arg14[%swap3A_83, %swap3A_84], %mul3A_82 {strides = array<i32>} : memref<80x144xf32, #tpu.memory_space<vmem>>, vector<16xf32>,
        %slice3A_86 = vector.extract_strided_slice %get3A_38 {offsets = [5], sizes = [1], strides = [1]} : vector<16xf32> to vector<1xf32>
        %squeeze3A_87 = vector.extract %slice3A_86[0] : f32 from vector<1xf32>
        %get3A_88 = arith.index_cast %scan3A_36 : i32 to index
        %get3A_89 = arith.constant 80 : index
        %get3A_90 = tpu.vector_load %arg13[%get3A_88, %get3A_89] {strides = array<i32>} : memref<80x128xf32, #tpu.memory_space<vmem>>, vector<16xf32>,
        %mul3A_91 = vector.broadcast %squeeze3A_87 : f32 to vector<16xf32>
        %mul3A_92 = arith.mulf %get3A_90, %mul3A_91 : vector<16xf32>
        %swap3A_93 = arith.index_cast %scan3A_36 : i32 to index
        %swap3A_94 = arith.constant 80 : index
        %swap3A_95 = tpu.vector_load %arg14[%swap3A_93, %swap3A_94] {strides = array<i32>} : memref<80x144xf32, #tpu.memory_space<vmem>>, vector<16xf32>,
        tpu.vector_store %arg14[%swap3A_93, %swap3A_94], %mul3A_92 {strides = array<i32>} : memref<80x144xf32, #tpu.memory_space<vmem>>, vector<16xf32>,
        %slice3A_96 = vector.extract_strided_slice %get3A_38 {offsets = [6], sizes = [1], strides = [1]} : vector<16xf32> to vector<1xf32>
        %squeeze3A_97 = vector.extract %slice3A_96[0] : f32 from vector<1xf32>
        %get3A_98 = arith.index_cast %scan3A_36 : i32 to index
        %get3A_99 = arith.constant 96 : index
        %get3A_100 = tpu.vector_load %arg13[%get3A_98, %get3A_99] {strides = array<i32>} : memref<80x128xf32, #tpu.memory_space<vmem>>, vector<16xf32>,
        %mul3A_101 = vector.broadcast %squeeze3A_97 : f32 to vector<16xf32>
        %mul3A_102 = arith.mulf %get3A_100, %mul3A_101 : vector<16xf32>
        %swap3A_103 = arith.index_cast %scan3A_36 : i32 to index
        %swap3A_104 = arith.constant 96 : index
        %swap3A_105 = tpu.vector_load %arg14[%swap3A_103, %swap3A_104] {strides = array<i32>} : memref<80x144xf32, #tpu.memory_space<vmem>>, vector<16xf32>,
        tpu.vector_store %arg14[%swap3A_103, %swap3A_104], %mul3A_102 {strides = array<i32>} : memref<80x144xf32, #tpu.memory_space<vmem>>, vector<16xf32>,
        %slice3A_106 = vector.extract_strided_slice %get3A_38 {offsets = [7], sizes = [1], strides = [1]} : vector<16xf32> to vector<1xf32>
        %squeeze3A_107 = vector.extract %slice3A_106[0] : f32 from vector<1xf32>
        %get3A_108 = arith.index_cast %scan3A_36 : i32 to index
        %get3A_109 = arith.constant 112 : index
        %get3A_110 = tpu.vector_load %arg13[%get3A_108, %get3A_109] {strides = array<i32>} : memref<80x128xf32, #tpu.memory_space<vmem>>, vector<16xf32>,
        %mul3A_111 = vector.broadcast %squeeze3A_107 : f32 to vector<16xf32>
        %mul3A_112 = arith.mulf %get3A_110, %mul3A_111 : vector<16xf32>
        %swap3A_113 = arith.index_cast %scan3A_36 : i32 to index
        %swap3A_114 = arith.constant 112 : index
        %swap3A_115 = tpu.vector_load %arg14[%swap3A_113, %swap3A_114] {strides = array<i32>} : memref<80x144xf32, #tpu.memory_space<vmem>>, vector<16xf32>,
        tpu.vector_store %arg14[%swap3A_113, %swap3A_114], %mul3A_112 {strides = array<i32>} : memref<80x144xf32, #tpu.memory_space<vmem>>, vector<16xf32>,
      }
      %scan3A_35 = arith.constant 80 : i32
      "tpu.region"() ({
        %run_scoped3A = tpu.sem_alloc : memref<!tpu.dma_semaphore, #tpu.memory_space<semaphore_mem>>
        %dma_start3A_36 = arith.constant 0 : i32
        %dma_start3A_37 = arith.constant 0 : i32
        %dma_start3A_38 = tpu.memref_slice %arg15[%dma_start3A_36, %dma_start3A_37] : memref<10112x144xf32, #tpu.memory_space<vmem_shared>> -> memref<10112x144xf32, #tpu.memory_space<vmem_shared>>
        tpu.enqueue_indirect_dma source(%arg14 : memref<80x144xf32, #tpu.memory_space<vmem>>) target(%dma_start3A_38 : memref<10112x144xf32, #tpu.memory_space<vmem_shared>>) offsets(%arg10 : memref<80xi32, #tpu.memory_space<vmem>>) semaphore(%run_scoped3A : memref<!tpu.dma_semaphore, #tpu.memory_space<semaphore_mem>>) {add = true}
        %dma_wait3A_39 = arith.constant 0 : i32
        %dma_wait3A_40 = arith.constant 0 : i32
        %dma_wait3A_41 = tpu.memref_slice %arg15[%dma_wait3A_39, %dma_wait3A_40] : memref<10112x144xf32, #tpu.memory_space<vmem_shared>> -> memref<10112x144xf32, #tpu.memory_space<vmem_shared>>
        tpu.wait_indirect_dma semaphore(%run_scoped3A : memref<!tpu.dma_semaphore, #tpu.memory_space<semaphore_mem>>) src(%arg14 : memref<80x144xf32, #tpu.memory_space<vmem>>) dst(%dma_wait3A_41 : memref<10112x144xf32, #tpu.memory_space<vmem_shared>>)
        tpu.yield
      }) : () -> ()
    }
    %scan3A_10 = arith.constant 125 : i32
    %barrier3A_11 = arith.constant 0 : index
    tpu.barrier barrier_id(%barrier3A_11)
    %mul3A_12 = arith.constant 632 : i32
    %mul3A_13 = arith.muli %arg1, %mul3A_12 : i32
    %mul3A_14 = arith.constant 632 : i32
    %mul3A_15 = arith.muli %arg1, %mul3A_14 : i32
    "tpu.region"() ({
      %run_scoped3A = tpu.sem_alloc : memref<!tpu.dma_semaphore, #tpu.memory_space<semaphore_mem>>
      %dma_start3A = arith.constant 0 : i32
      %dma_start3A_16 = tpu.memref_slice %arg8[%arg0, %mul3A_15, %dma_start3A] : memref<2x10112x144xf32, #tpu.memory_space<hbm>> -> memref<1x632x144xf32, #tpu.memory_space<hbm>>
      %dma_start3A_17 = tpu.memref_squeeze %dma_start3A_16 : memref<1x632x144xf32, #tpu.memory_space<hbm>> -> memref<632x144xf32, #tpu.memory_space<hbm>>
      %dma_start3A_18 = arith.constant 0 : i32
      %dma_start3A_19 = tpu.memref_slice %arg15[%mul3A_13, %dma_start3A_18] : memref<10112x144xf32, #tpu.memory_space<vmem_shared>> -> memref<632x144xf32, #tpu.memory_space<vmem_shared>>
      tpu.enqueue_dma source(%dma_start3A_19 : memref<632x144xf32, #tpu.memory_space<vmem_shared>>) target(%dma_start3A_17 : memref<632x144xf32, #tpu.memory_space<hbm>>) target_semaphore(%run_scoped3A : memref<!tpu.dma_semaphore, #tpu.memory_space<semaphore_mem>>)
      %dma_wait3A = arith.constant 0 : i32
      %dma_wait3A_20 = tpu.memref_slice %arg8[%arg0, %mul3A_15, %dma_wait3A] : memref<2x10112x144xf32, #tpu.memory_space<hbm>> -> memref<1x632x144xf32, #tpu.memory_space<hbm>>
      %dma_wait3A_21 = tpu.memref_squeeze %dma_wait3A_20 : memref<1x632x144xf32, #tpu.memory_space<hbm>> -> memref<632x144xf32, #tpu.memory_space<hbm>>
      %dma_wait3A_22 = arith.constant 0 : i32
      %dma_wait3A_23 = tpu.memref_slice %arg15[%mul3A_13, %dma_wait3A_22] : memref<10112x144xf32, #tpu.memory_space<vmem_shared>> -> memref<632x144xf32, #tpu.memory_space<vmem_shared>>
      tpu.wait_dma2 semaphore(%run_scoped3A : memref<!tpu.dma_semaphore, #tpu.memory_space<semaphore_mem>>) src(%dma_wait3A_23 : memref<632x144xf32, #tpu.memory_space<vmem_shared>>) dst(%dma_wait3A_21 : memref<632x144xf32, #tpu.memory_space<hbm>>)
      tpu.yield
    }) : () -> ()
    return
  }
}

#map = affine_map<(d0, d1) -> (0)>
#map1 = affine_map<(d0, d1) -> (0, 0)>
#map2 = affine_map<(d0, d1) -> (0, 0, 0)>
module attributes {stable_mosaic.version = 14 : i64} {
  func.func @_sc_edge2(%arg0: i32, %arg1: i32, %arg2: memref<320000xi32, #tpu.memory_space<hbm>>, %arg3: memref<320000xi32, #tpu.memory_space<hbm>>, %arg4: memref<10000x8xf32, #tpu.memory_space<hbm>>, %arg5: memref<10000x32xf32, #tpu.memory_space<hbm>>, %arg6: memref<632x48xf32, #tpu.memory_space<hbm>>, %arg7: memref<2x10112x48xf32, #tpu.memory_space<hbm>>, %arg8: memref<80xi32, #tpu.memory_space<vmem>>, %arg9: memref<80xi32, #tpu.memory_space<vmem>>, %arg10: memref<10000x8xf32, #tpu.memory_space<vmem>>, %arg11: memref<80xf32, #tpu.memory_space<vmem>>, %arg12: memref<80x32xf32, #tpu.memory_space<vmem>>, %arg13: memref<80x48xf32, #tpu.memory_space<vmem>>, %arg14: memref<10112x48xf32, #tpu.memory_space<vmem_shared>>, %arg15: memref<!tpu.dma_semaphore, #tpu.memory_space<semaphore_mem>>) attributes {dimension_semantics = [#tpu.dimension_semantics<core_parallel>, #tpu.dimension_semantics<subcore_parallel>], iteration_bounds = array<i64: 2, 16>, scalar_prefetch = 0 : i64, scratch_operands = 8 : i64, tpu.core_type = #tpu.core_type<sc_vector_subcore>, window_params = [{transform_indices = #map}, {transform_indices = #map}, {transform_indices = #map1}, {transform_indices = #map1}, {transform_indices = #map1}, {transform_indices = #map2}]} {
    %mul3A = arith.constant 16 : i32
    %mul3A_0 = arith.muli %arg0, %mul3A : i32
    %add3A = arith.addi %mul3A_0, %arg1 : i32
    %mul3A_1 = arith.constant 632 : i32
    %mul3A_2 = arith.muli %arg1, %mul3A_1 : i32
    "tpu.region"() ({
      %run_scoped3A = tpu.sem_alloc : memref<!tpu.dma_semaphore, #tpu.memory_space<semaphore_mem>>
      %dma_start3A = arith.constant 0 : i32
      %dma_start3A_20 = tpu.memref_slice %arg14[%mul3A_2, %dma_start3A] : memref<10112x48xf32, #tpu.memory_space<vmem_shared>> -> memref<632x48xf32, #tpu.memory_space<vmem_shared>>
      tpu.enqueue_dma source(%arg6 : memref<632x48xf32, #tpu.memory_space<hbm>>) target(%dma_start3A_20 : memref<632x48xf32, #tpu.memory_space<vmem_shared>>) target_semaphore(%run_scoped3A : memref<!tpu.dma_semaphore, #tpu.memory_space<semaphore_mem>>)
      %dma_wait3A = arith.constant 0 : i32
      %dma_wait3A_21 = tpu.memref_slice %arg14[%mul3A_2, %dma_wait3A] : memref<10112x48xf32, #tpu.memory_space<vmem_shared>> -> memref<632x48xf32, #tpu.memory_space<vmem_shared>>
      tpu.wait_dma2 semaphore(%run_scoped3A : memref<!tpu.dma_semaphore, #tpu.memory_space<semaphore_mem>>) src(%arg6 : memref<632x48xf32, #tpu.memory_space<hbm>>) dst(%dma_wait3A_21 : memref<632x48xf32, #tpu.memory_space<vmem_shared>>)
      tpu.yield
    }) : () -> ()
    "tpu.region"() ({
      %run_scoped3A = tpu.sem_alloc : memref<!tpu.dma_semaphore, #tpu.memory_space<semaphore_mem>>
      tpu.enqueue_dma source(%arg4 : memref<10000x8xf32, #tpu.memory_space<hbm>>) target(%arg10 : memref<10000x8xf32, #tpu.memory_space<vmem>>) target_semaphore(%run_scoped3A : memref<!tpu.dma_semaphore, #tpu.memory_space<semaphore_mem>>)
      tpu.wait_dma2 semaphore(%run_scoped3A : memref<!tpu.dma_semaphore, #tpu.memory_space<semaphore_mem>>) src(%arg4 : memref<10000x8xf32, #tpu.memory_space<hbm>>) dst(%arg10 : memref<10000x8xf32, #tpu.memory_space<vmem>>)
      tpu.yield
    }) : () -> ()
    %barrier3A = arith.constant 0 : index
    tpu.barrier barrier_id(%barrier3A)
    %iota3A = tpu.iota {dimensions = array<i32: 0>} : vector<16xi32>
    %broadcast_in_dim3A = arith.constant 0 : i32
    %broadcast_in_dim3A_3 = vector.broadcast %broadcast_in_dim3A : i32 to vector<16xi32>
    %broadcast_in_dim3A_4 = arith.constant 1 : i32
    %broadcast_in_dim3A_5 = vector.broadcast %broadcast_in_dim3A_4 : i32 to vector<16xi32>
    %eq3A = arith.constant 0 : i32
    %eq3A_6 = vector.broadcast %eq3A : i32 to vector<16xi32>
    %eq3A_7 = arith.cmpi eq, %iota3A, %eq3A_6 : vector<16xi32>
    %jit3A = arith.constant 1.000000e+00 : f32
    %jit3A_8 = arith.constant 0.000000e+00 : f32
    %broadcast_in_dim3A_9 = vector.broadcast %jit3A : f32 to vector<16xf32>
    %broadcast_in_dim3A_10 = vector.broadcast %jit3A_8 : f32 to vector<16xf32>
    %select_n3A = arith.select %eq3A_7, %broadcast_in_dim3A_9, %broadcast_in_dim3A_10 : vector<16xi1>, vector<16xf32>
    %scan3A = arith.constant 0 : i32
    %scan3A_11 = arith.constant 125 : i32
    %scan3A_12 = arith.addi %scan3A, %scan3A_11 : i32
    %scan3A_13 = arith.constant 1 : i32
    scf.for %scan3A_20 = %scan3A to %scan3A_12 step %scan3A_13  : i32 {
      %mul3A_21 = arith.constant 10000 : i32
      %mul3A_22 = arith.muli %add3A, %mul3A_21 : i32
      %mul3A_23 = arith.constant 80 : i32
      %mul3A_24 = arith.muli %scan3A_20, %mul3A_23 : i32
      %add3A_25 = arith.addi %mul3A_22, %mul3A_24 : i32
      "tpu.region"() ({
        %run_scoped3A = tpu.sem_alloc : memref<!tpu.dma_semaphore, #tpu.memory_space<semaphore_mem>>
        %dma_start3A_40 = tpu.memref_slice %arg2[%add3A_25] : memref<320000xi32, #tpu.memory_space<hbm>> -> memref<80xi32, #tpu.memory_space<hbm>>
        %dma_start3A_41 = tpu.memref_slice %arg2[%add3A_25] : memref<320000xi32, #tpu.memory_space<hbm>> -> memref<80xi32, #tpu.memory_space<hbm>>
        tpu.enqueue_dma source(%dma_start3A_41 : memref<80xi32, #tpu.memory_space<hbm>>) target(%arg8 : memref<80xi32, #tpu.memory_space<vmem>>) target_semaphore(%run_scoped3A : memref<!tpu.dma_semaphore, #tpu.memory_space<semaphore_mem>>)
        %dma_wait3A_42 = tpu.memref_slice %arg2[%add3A_25] : memref<320000xi32, #tpu.memory_space<hbm>> -> memref<80xi32, #tpu.memory_space<hbm>>
        %dma_wait3A_43 = tpu.memref_slice %arg2[%add3A_25] : memref<320000xi32, #tpu.memory_space<hbm>> -> memref<80xi32, #tpu.memory_space<hbm>>
        tpu.wait_dma2 semaphore(%run_scoped3A : memref<!tpu.dma_semaphore, #tpu.memory_space<semaphore_mem>>) src(%dma_wait3A_43 : memref<80xi32, #tpu.memory_space<hbm>>) dst(%arg8 : memref<80xi32, #tpu.memory_space<vmem>>)
        tpu.yield
      }) : () -> ()
      "tpu.region"() ({
        %run_scoped3A = tpu.sem_alloc : memref<!tpu.dma_semaphore, #tpu.memory_space<semaphore_mem>>
        %dma_start3A_40 = tpu.memref_slice %arg3[%add3A_25] : memref<320000xi32, #tpu.memory_space<hbm>> -> memref<80xi32, #tpu.memory_space<hbm>>
        %dma_start3A_41 = tpu.memref_slice %arg3[%add3A_25] : memref<320000xi32, #tpu.memory_space<hbm>> -> memref<80xi32, #tpu.memory_space<hbm>>
        tpu.enqueue_dma source(%dma_start3A_41 : memref<80xi32, #tpu.memory_space<hbm>>) target(%arg9 : memref<80xi32, #tpu.memory_space<vmem>>) target_semaphore(%run_scoped3A : memref<!tpu.dma_semaphore, #tpu.memory_space<semaphore_mem>>)
        %dma_wait3A_42 = tpu.memref_slice %arg3[%add3A_25] : memref<320000xi32, #tpu.memory_space<hbm>> -> memref<80xi32, #tpu.memory_space<hbm>>
        %dma_wait3A_43 = tpu.memref_slice %arg3[%add3A_25] : memref<320000xi32, #tpu.memory_space<hbm>> -> memref<80xi32, #tpu.memory_space<hbm>>
        tpu.wait_dma2 semaphore(%run_scoped3A : memref<!tpu.dma_semaphore, #tpu.memory_space<semaphore_mem>>) src(%dma_wait3A_43 : memref<80xi32, #tpu.memory_space<hbm>>) dst(%arg9 : memref<80xi32, #tpu.memory_space<vmem>>)
        tpu.yield
      }) : () -> ()
      %dma_start3A = arith.constant 0 : i32
      %dma_start3A_26 = arith.constant 0 : i32
      %dma_start3A_27 = tpu.memref_slice %arg5[%dma_start3A, %dma_start3A_26] : memref<10000x32xf32, #tpu.memory_space<hbm>> -> memref<10000x32xf32, #tpu.memory_space<hbm>>
      tpu.enqueue_indirect_dma source(%dma_start3A_27 : memref<10000x32xf32, #tpu.memory_space<hbm>>) target(%arg12 : memref<80x32xf32, #tpu.memory_space<vmem>>) offsets(%arg8 : memref<80xi32, #tpu.memory_space<vmem>>) semaphore(%arg15 : memref<!tpu.dma_semaphore, #tpu.memory_space<semaphore_mem>>)
      %scan3A_28 = arith.constant 0 : i32
      %scan3A_29 = arith.constant 5 : i32
      %scan3A_30 = arith.addi %scan3A_28, %scan3A_29 : i32
      %scan3A_31 = arith.constant 1 : i32
      scf.for %scan3A_40 = %scan3A_28 to %scan3A_30 step %scan3A_31  : i32 {
        %mul3A_41 = arith.constant 16 : i32
        %mul3A_42 = arith.muli %scan3A_40, %mul3A_41 : i32
        %get3A = arith.index_cast %mul3A_42 : i32 to index
        %get3A_43 = tpu.vector_load %arg8[%get3A] {strides = array<i32>} : memref<80xi32, #tpu.memory_space<vmem>>, vector<16xi32>,
        %mul3A_44 = arith.constant 16 : i32
        %mul3A_45 = arith.muli %scan3A_40, %mul3A_44 : i32
        %get3A_46 = arith.index_cast %mul3A_45 : i32 to index
        %get3A_47 = tpu.vector_load %arg9[%get3A_46] {strides = array<i32>} : memref<80xi32, #tpu.memory_space<vmem>>, vector<16xi32>,
        %gather3A = tpu.vector_load_idx %arg10[%get3A_43, %broadcast_in_dim3A_3] : memref<10000x8xf32, #tpu.memory_space<vmem>>[vector<16xi32>, vector<16xi32>], vector<16xf32>,
        %gather3A_48 = tpu.vector_load_idx %arg10[%get3A_47, %broadcast_in_dim3A_5] : memref<10000x8xf32, #tpu.memory_space<vmem>>[vector<16xi32>, vector<16xi32>], vector<16xf32>,
        %add3A_49 = arith.addf %gather3A, %gather3A_48 : vector<16xf32>
        %ge3A = arith.constant 0.000000e+00 : f32
        %ge3A_50 = vector.broadcast %ge3A : f32 to vector<16xf32>
        %ge3A_51 = arith.cmpf oge, %add3A_49, %ge3A_50 : vector<16xf32>
        %mul3A_52 = arith.constant 2.000000e-01 : f32
        %mul3A_53 = vector.broadcast %mul3A_52 : f32 to vector<16xf32>
        %mul3A_54 = arith.mulf %mul3A_53, %add3A_49 : vector<16xf32>
        %select_n3A_55 = arith.select %ge3A_51, %add3A_49, %mul3A_54 : vector<16xi1>, vector<16xf32>
        %exp3A = math.exp %select_n3A_55 : vector<16xf32>
        %mul3A_56 = arith.constant 16 : i32
        %mul3A_57 = arith.muli %scan3A_40, %mul3A_56 : i32
        %swap3A = arith.index_cast %mul3A_57 : i32 to index
        %swap3A_58 = tpu.vector_load %arg11[%swap3A] {strides = array<i32>} : memref<80xf32, #tpu.memory_space<vmem>>, vector<16xf32>,
        tpu.vector_store %arg11[%swap3A], %exp3A {strides = array<i32>} : memref<80xf32, #tpu.memory_space<vmem>>, vector<16xf32>,
      }
      %scan3A_32 = arith.constant 5 : i32
      %dma_wait3A = arith.constant 0 : i32
      %dma_wait3A_33 = arith.constant 0 : i32
      %dma_wait3A_34 = tpu.memref_slice %arg5[%dma_wait3A, %dma_wait3A_33] : memref<10000x32xf32, #tpu.memory_space<hbm>> -> memref<10000x32xf32, #tpu.memory_space<hbm>>
      tpu.wait_indirect_dma semaphore(%arg15 : memref<!tpu.dma_semaphore, #tpu.memory_space<semaphore_mem>>) src(%dma_wait3A_34 : memref<10000x32xf32, #tpu.memory_space<hbm>>) dst(%arg12 : memref<80x32xf32, #tpu.memory_space<vmem>>)
      %scan3A_35 = arith.constant 0 : i32
      %scan3A_36 = arith.constant 5 : i32
      %scan3A_37 = arith.addi %scan3A_35, %scan3A_36 : i32
      %scan3A_38 = arith.constant 1 : i32
      scf.for %scan3A_40 = %scan3A_35 to %scan3A_37 step %scan3A_38  : i32 {
        %mul3A_41 = arith.constant 16 : i32
        %mul3A_42 = arith.muli %scan3A_40, %mul3A_41 : i32
        %get3A = arith.index_cast %mul3A_42 : i32 to index
        %get3A_43 = tpu.vector_load %arg11[%get3A] {strides = array<i32>} : memref<80xf32, #tpu.memory_space<vmem>>, vector<16xf32>,
        %mul3A_44 = arith.constant 16 : i32
        %mul3A_45 = arith.muli %scan3A_40, %mul3A_44 : i32
        %add3A_46 = arith.constant 0 : i32
        %add3A_47 = arith.addi %mul3A_45, %add3A_46 : i32
        %slice3A = vector.extract_strided_slice %get3A_43 {offsets = [0], sizes = [1], strides = [1]} : vector<16xf32> to vector<1xf32>
        %squeeze3A = vector.extract %slice3A[0] : f32 from vector<1xf32>
        %get3A_48 = arith.index_cast %add3A_47 : i32 to index
        %get3A_49 = arith.constant 0 : index
        %get3A_50 = tpu.vector_load %arg12[%get3A_48, %get3A_49] {strides = array<i32>} : memref<80x32xf32, #tpu.memory_space<vmem>>, vector<16xf32>,
        %mul3A_51 = vector.broadcast %squeeze3A : f32 to vector<16xf32>
        %mul3A_52 = arith.mulf %get3A_50, %mul3A_51 : vector<16xf32>
        %swap3A = arith.index_cast %add3A_47 : i32 to index
        %swap3A_53 = arith.constant 0 : index
        %swap3A_54 = tpu.vector_load %arg13[%swap3A, %swap3A_53] {strides = array<i32>} : memref<80x48xf32, #tpu.memory_space<vmem>>, vector<16xf32>,
        tpu.vector_store %arg13[%swap3A, %swap3A_53], %mul3A_52 {strides = array<i32>} : memref<80x48xf32, #tpu.memory_space<vmem>>, vector<16xf32>,
        %get3A_55 = arith.index_cast %add3A_47 : i32 to index
        %get3A_56 = arith.constant 16 : index
        %get3A_57 = tpu.vector_load %arg12[%get3A_55, %get3A_56] {strides = array<i32>} : memref<80x32xf32, #tpu.memory_space<vmem>>, vector<16xf32>,
        %mul3A_58 = vector.broadcast %squeeze3A : f32 to vector<16xf32>
        %mul3A_59 = arith.mulf %get3A_57, %mul3A_58 : vector<16xf32>
        %swap3A_60 = arith.index_cast %add3A_47 : i32 to index
        %swap3A_61 = arith.constant 16 : index
        %swap3A_62 = tpu.vector_load %arg13[%swap3A_60, %swap3A_61] {strides = array<i32>} : memref<80x48xf32, #tpu.memory_space<vmem>>, vector<16xf32>,
        tpu.vector_store %arg13[%swap3A_60, %swap3A_61], %mul3A_59 {strides = array<i32>} : memref<80x48xf32, #tpu.memory_space<vmem>>, vector<16xf32>,
        %mul3A_63 = vector.broadcast %squeeze3A : f32 to vector<16xf32>
        %mul3A_64 = arith.mulf %select_n3A, %mul3A_63 : vector<16xf32>
        %swap3A_65 = arith.index_cast %add3A_47 : i32 to index
        %swap3A_66 = arith.constant 32 : index
        %swap3A_67 = tpu.vector_load %arg13[%swap3A_65, %swap3A_66] {strides = array<i32>} : memref<80x48xf32, #tpu.memory_space<vmem>>, vector<16xf32>,
        tpu.vector_store %arg13[%swap3A_65, %swap3A_66], %mul3A_64 {strides = array<i32>} : memref<80x48xf32, #tpu.memory_space<vmem>>, vector<16xf32>,
        %mul3A_68 = arith.constant 16 : i32
        %mul3A_69 = arith.muli %scan3A_40, %mul3A_68 : i32
        %add3A_70 = arith.constant 1 : i32
        %add3A_71 = arith.addi %mul3A_69, %add3A_70 : i32
        %slice3A_72 = vector.extract_strided_slice %get3A_43 {offsets = [1], sizes = [1], strides = [1]} : vector<16xf32> to vector<1xf32>
        %squeeze3A_73 = vector.extract %slice3A_72[0] : f32 from vector<1xf32>
        %get3A_74 = arith.index_cast %add3A_71 : i32 to index
        %get3A_75 = arith.constant 0 : index
        %get3A_76 = tpu.vector_load %arg12[%get3A_74, %get3A_75] {strides = array<i32>} : memref<80x32xf32, #tpu.memory_space<vmem>>, vector<16xf32>,
        %mul3A_77 = vector.broadcast %squeeze3A_73 : f32 to vector<16xf32>
        %mul3A_78 = arith.mulf %get3A_76, %mul3A_77 : vector<16xf32>
        %swap3A_79 = arith.index_cast %add3A_71 : i32 to index
        %swap3A_80 = arith.constant 0 : index
        %swap3A_81 = tpu.vector_load %arg13[%swap3A_79, %swap3A_80] {strides = array<i32>} : memref<80x48xf32, #tpu.memory_space<vmem>>, vector<16xf32>,
        tpu.vector_store %arg13[%swap3A_79, %swap3A_80], %mul3A_78 {strides = array<i32>} : memref<80x48xf32, #tpu.memory_space<vmem>>, vector<16xf32>,
        %get3A_82 = arith.index_cast %add3A_71 : i32 to index
        %get3A_83 = arith.constant 16 : index
        %get3A_84 = tpu.vector_load %arg12[%get3A_82, %get3A_83] {strides = array<i32>} : memref<80x32xf32, #tpu.memory_space<vmem>>, vector<16xf32>,
        %mul3A_85 = vector.broadcast %squeeze3A_73 : f32 to vector<16xf32>
        %mul3A_86 = arith.mulf %get3A_84, %mul3A_85 : vector<16xf32>
        %swap3A_87 = arith.index_cast %add3A_71 : i32 to index
        %swap3A_88 = arith.constant 16 : index
        %swap3A_89 = tpu.vector_load %arg13[%swap3A_87, %swap3A_88] {strides = array<i32>} : memref<80x48xf32, #tpu.memory_space<vmem>>, vector<16xf32>,
        tpu.vector_store %arg13[%swap3A_87, %swap3A_88], %mul3A_86 {strides = array<i32>} : memref<80x48xf32, #tpu.memory_space<vmem>>, vector<16xf32>,
        %mul3A_90 = vector.broadcast %squeeze3A_73 : f32 to vector<16xf32>
        %mul3A_91 = arith.mulf %select_n3A, %mul3A_90 : vector<16xf32>
        %swap3A_92 = arith.index_cast %add3A_71 : i32 to index
        %swap3A_93 = arith.constant 32 : index
        %swap3A_94 = tpu.vector_load %arg13[%swap3A_92, %swap3A_93] {strides = array<i32>} : memref<80x48xf32, #tpu.memory_space<vmem>>, vector<16xf32>,
        tpu.vector_store %arg13[%swap3A_92, %swap3A_93], %mul3A_91 {strides = array<i32>} : memref<80x48xf32, #tpu.memory_space<vmem>>, vector<16xf32>,
        %mul3A_95 = arith.constant 16 : i32
        %mul3A_96 = arith.muli %scan3A_40, %mul3A_95 : i32
        %add3A_97 = arith.constant 2 : i32
        %add3A_98 = arith.addi %mul3A_96, %add3A_97 : i32
        %slice3A_99 = vector.extract_strided_slice %get3A_43 {offsets = [2], sizes = [1], strides = [1]} : vector<16xf32> to vector<1xf32>
        %squeeze3A_100 = vector.extract %slice3A_99[0] : f32 from vector<1xf32>
        %get3A_101 = arith.index_cast %add3A_98 : i32 to index
        %get3A_102 = arith.constant 0 : index
        %get3A_103 = tpu.vector_load %arg12[%get3A_101, %get3A_102] {strides = array<i32>} : memref<80x32xf32, #tpu.memory_space<vmem>>, vector<16xf32>,
        %mul3A_104 = vector.broadcast %squeeze3A_100 : f32 to vector<16xf32>
        %mul3A_105 = arith.mulf %get3A_103, %mul3A_104 : vector<16xf32>
        %swap3A_106 = arith.index_cast %add3A_98 : i32 to index
        %swap3A_107 = arith.constant 0 : index
        %swap3A_108 = tpu.vector_load %arg13[%swap3A_106, %swap3A_107] {strides = array<i32>} : memref<80x48xf32, #tpu.memory_space<vmem>>, vector<16xf32>,
        tpu.vector_store %arg13[%swap3A_106, %swap3A_107], %mul3A_105 {strides = array<i32>} : memref<80x48xf32, #tpu.memory_space<vmem>>, vector<16xf32>,
        %get3A_109 = arith.index_cast %add3A_98 : i32 to index
        %get3A_110 = arith.constant 16 : index
        %get3A_111 = tpu.vector_load %arg12[%get3A_109, %get3A_110] {strides = array<i32>} : memref<80x32xf32, #tpu.memory_space<vmem>>, vector<16xf32>,
        %mul3A_112 = vector.broadcast %squeeze3A_100 : f32 to vector<16xf32>
        %mul3A_113 = arith.mulf %get3A_111, %mul3A_112 : vector<16xf32>
        %swap3A_114 = arith.index_cast %add3A_98 : i32 to index
        %swap3A_115 = arith.constant 16 : index
        %swap3A_116 = tpu.vector_load %arg13[%swap3A_114, %swap3A_115] {strides = array<i32>} : memref<80x48xf32, #tpu.memory_space<vmem>>, vector<16xf32>,
        tpu.vector_store %arg13[%swap3A_114, %swap3A_115], %mul3A_113 {strides = array<i32>} : memref<80x48xf32, #tpu.memory_space<vmem>>, vector<16xf32>,
        %mul3A_117 = vector.broadcast %squeeze3A_100 : f32 to vector<16xf32>
        %mul3A_118 = arith.mulf %select_n3A, %mul3A_117 : vector<16xf32>
        %swap3A_119 = arith.index_cast %add3A_98 : i32 to index
        %swap3A_120 = arith.constant 32 : index
        %swap3A_121 = tpu.vector_load %arg13[%swap3A_119, %swap3A_120] {strides = array<i32>} : memref<80x48xf32, #tpu.memory_space<vmem>>, vector<16xf32>,
        tpu.vector_store %arg13[%swap3A_119, %swap3A_120], %mul3A_118 {strides = array<i32>} : memref<80x48xf32, #tpu.memory_space<vmem>>, vector<16xf32>,
        %mul3A_122 = arith.constant 16 : i32
        %mul3A_123 = arith.muli %scan3A_40, %mul3A_122 : i32
        %add3A_124 = arith.constant 3 : i32
        %add3A_125 = arith.addi %mul3A_123, %add3A_124 : i32
        %slice3A_126 = vector.extract_strided_slice %get3A_43 {offsets = [3], sizes = [1], strides = [1]} : vector<16xf32> to vector<1xf32>
        %squeeze3A_127 = vector.extract %slice3A_126[0] : f32 from vector<1xf32>
        %get3A_128 = arith.index_cast %add3A_125 : i32 to index
        %get3A_129 = arith.constant 0 : index
        %get3A_130 = tpu.vector_load %arg12[%get3A_128, %get3A_129] {strides = array<i32>} : memref<80x32xf32, #tpu.memory_space<vmem>>, vector<16xf32>,
        %mul3A_131 = vector.broadcast %squeeze3A_127 : f32 to vector<16xf32>
        %mul3A_132 = arith.mulf %get3A_130, %mul3A_131 : vector<16xf32>
        %swap3A_133 = arith.index_cast %add3A_125 : i32 to index
        %swap3A_134 = arith.constant 0 : index
        %swap3A_135 = tpu.vector_load %arg13[%swap3A_133, %swap3A_134] {strides = array<i32>} : memref<80x48xf32, #tpu.memory_space<vmem>>, vector<16xf32>,
        tpu.vector_store %arg13[%swap3A_133, %swap3A_134], %mul3A_132 {strides = array<i32>} : memref<80x48xf32, #tpu.memory_space<vmem>>, vector<16xf32>,
        %get3A_136 = arith.index_cast %add3A_125 : i32 to index
        %get3A_137 = arith.constant 16 : index
        %get3A_138 = tpu.vector_load %arg12[%get3A_136, %get3A_137] {strides = array<i32>} : memref<80x32xf32, #tpu.memory_space<vmem>>, vector<16xf32>,
        %mul3A_139 = vector.broadcast %squeeze3A_127 : f32 to vector<16xf32>
        %mul3A_140 = arith.mulf %get3A_138, %mul3A_139 : vector<16xf32>
        %swap3A_141 = arith.index_cast %add3A_125 : i32 to index
        %swap3A_142 = arith.constant 16 : index
        %swap3A_143 = tpu.vector_load %arg13[%swap3A_141, %swap3A_142] {strides = array<i32>} : memref<80x48xf32, #tpu.memory_space<vmem>>, vector<16xf32>,
        tpu.vector_store %arg13[%swap3A_141, %swap3A_142], %mul3A_140 {strides = array<i32>} : memref<80x48xf32, #tpu.memory_space<vmem>>, vector<16xf32>,
        %mul3A_144 = vector.broadcast %squeeze3A_127 : f32 to vector<16xf32>
        %mul3A_145 = arith.mulf %select_n3A, %mul3A_144 : vector<16xf32>
        %swap3A_146 = arith.index_cast %add3A_125 : i32 to index
        %swap3A_147 = arith.constant 32 : index
        %swap3A_148 = tpu.vector_load %arg13[%swap3A_146, %swap3A_147] {strides = array<i32>} : memref<80x48xf32, #tpu.memory_space<vmem>>, vector<16xf32>,
        tpu.vector_store %arg13[%swap3A_146, %swap3A_147], %mul3A_145 {strides = array<i32>} : memref<80x48xf32, #tpu.memory_space<vmem>>, vector<16xf32>,
        %mul3A_149 = arith.constant 16 : i32
        %mul3A_150 = arith.muli %scan3A_40, %mul3A_149 : i32
        %add3A_151 = arith.constant 4 : i32
        %add3A_152 = arith.addi %mul3A_150, %add3A_151 : i32
        %slice3A_153 = vector.extract_strided_slice %get3A_43 {offsets = [4], sizes = [1], strides = [1]} : vector<16xf32> to vector<1xf32>
        %squeeze3A_154 = vector.extract %slice3A_153[0] : f32 from vector<1xf32>
        %get3A_155 = arith.index_cast %add3A_152 : i32 to index
        %get3A_156 = arith.constant 0 : index
        %get3A_157 = tpu.vector_load %arg12[%get3A_155, %get3A_156] {strides = array<i32>} : memref<80x32xf32, #tpu.memory_space<vmem>>, vector<16xf32>,
        %mul3A_158 = vector.broadcast %squeeze3A_154 : f32 to vector<16xf32>
        %mul3A_159 = arith.mulf %get3A_157, %mul3A_158 : vector<16xf32>
        %swap3A_160 = arith.index_cast %add3A_152 : i32 to index
        %swap3A_161 = arith.constant 0 : index
        %swap3A_162 = tpu.vector_load %arg13[%swap3A_160, %swap3A_161] {strides = array<i32>} : memref<80x48xf32, #tpu.memory_space<vmem>>, vector<16xf32>,
        tpu.vector_store %arg13[%swap3A_160, %swap3A_161], %mul3A_159 {strides = array<i32>} : memref<80x48xf32, #tpu.memory_space<vmem>>, vector<16xf32>,
        %get3A_163 = arith.index_cast %add3A_152 : i32 to index
        %get3A_164 = arith.constant 16 : index
        %get3A_165 = tpu.vector_load %arg12[%get3A_163, %get3A_164] {strides = array<i32>} : memref<80x32xf32, #tpu.memory_space<vmem>>, vector<16xf32>,
        %mul3A_166 = vector.broadcast %squeeze3A_154 : f32 to vector<16xf32>
        %mul3A_167 = arith.mulf %get3A_165, %mul3A_166 : vector<16xf32>
        %swap3A_168 = arith.index_cast %add3A_152 : i32 to index
        %swap3A_169 = arith.constant 16 : index
        %swap3A_170 = tpu.vector_load %arg13[%swap3A_168, %swap3A_169] {strides = array<i32>} : memref<80x48xf32, #tpu.memory_space<vmem>>, vector<16xf32>,
        tpu.vector_store %arg13[%swap3A_168, %swap3A_169], %mul3A_167 {strides = array<i32>} : memref<80x48xf32, #tpu.memory_space<vmem>>, vector<16xf32>,
        %mul3A_171 = vector.broadcast %squeeze3A_154 : f32 to vector<16xf32>
        %mul3A_172 = arith.mulf %select_n3A, %mul3A_171 : vector<16xf32>
        %swap3A_173 = arith.index_cast %add3A_152 : i32 to index
        %swap3A_174 = arith.constant 32 : index
        %swap3A_175 = tpu.vector_load %arg13[%swap3A_173, %swap3A_174] {strides = array<i32>} : memref<80x48xf32, #tpu.memory_space<vmem>>, vector<16xf32>,
        tpu.vector_store %arg13[%swap3A_173, %swap3A_174], %mul3A_172 {strides = array<i32>} : memref<80x48xf32, #tpu.memory_space<vmem>>, vector<16xf32>,
        %mul3A_176 = arith.constant 16 : i32
        %mul3A_177 = arith.muli %scan3A_40, %mul3A_176 : i32
        %add3A_178 = arith.constant 5 : i32
        %add3A_179 = arith.addi %mul3A_177, %add3A_178 : i32
        %slice3A_180 = vector.extract_strided_slice %get3A_43 {offsets = [5], sizes = [1], strides = [1]} : vector<16xf32> to vector<1xf32>
        %squeeze3A_181 = vector.extract %slice3A_180[0] : f32 from vector<1xf32>
        %get3A_182 = arith.index_cast %add3A_179 : i32 to index
        %get3A_183 = arith.constant 0 : index
        %get3A_184 = tpu.vector_load %arg12[%get3A_182, %get3A_183] {strides = array<i32>} : memref<80x32xf32, #tpu.memory_space<vmem>>, vector<16xf32>,
        %mul3A_185 = vector.broadcast %squeeze3A_181 : f32 to vector<16xf32>
        %mul3A_186 = arith.mulf %get3A_184, %mul3A_185 : vector<16xf32>
        %swap3A_187 = arith.index_cast %add3A_179 : i32 to index
        %swap3A_188 = arith.constant 0 : index
        %swap3A_189 = tpu.vector_load %arg13[%swap3A_187, %swap3A_188] {strides = array<i32>} : memref<80x48xf32, #tpu.memory_space<vmem>>, vector<16xf32>,
        tpu.vector_store %arg13[%swap3A_187, %swap3A_188], %mul3A_186 {strides = array<i32>} : memref<80x48xf32, #tpu.memory_space<vmem>>, vector<16xf32>,
        %get3A_190 = arith.index_cast %add3A_179 : i32 to index
        %get3A_191 = arith.constant 16 : index
        %get3A_192 = tpu.vector_load %arg12[%get3A_190, %get3A_191] {strides = array<i32>} : memref<80x32xf32, #tpu.memory_space<vmem>>, vector<16xf32>,
        %mul3A_193 = vector.broadcast %squeeze3A_181 : f32 to vector<16xf32>
        %mul3A_194 = arith.mulf %get3A_192, %mul3A_193 : vector<16xf32>
        %swap3A_195 = arith.index_cast %add3A_179 : i32 to index
        %swap3A_196 = arith.constant 16 : index
        %swap3A_197 = tpu.vector_load %arg13[%swap3A_195, %swap3A_196] {strides = array<i32>} : memref<80x48xf32, #tpu.memory_space<vmem>>, vector<16xf32>,
        tpu.vector_store %arg13[%swap3A_195, %swap3A_196], %mul3A_194 {strides = array<i32>} : memref<80x48xf32, #tpu.memory_space<vmem>>, vector<16xf32>,
        %mul3A_198 = vector.broadcast %squeeze3A_181 : f32 to vector<16xf32>
        %mul3A_199 = arith.mulf %select_n3A, %mul3A_198 : vector<16xf32>
        %swap3A_200 = arith.index_cast %add3A_179 : i32 to index
        %swap3A_201 = arith.constant 32 : index
        %swap3A_202 = tpu.vector_load %arg13[%swap3A_200, %swap3A_201] {strides = array<i32>} : memref<80x48xf32, #tpu.memory_space<vmem>>, vector<16xf32>,
        tpu.vector_store %arg13[%swap3A_200, %swap3A_201], %mul3A_199 {strides = array<i32>} : memref<80x48xf32, #tpu.memory_space<vmem>>, vector<16xf32>,
        %mul3A_203 = arith.constant 16 : i32
        %mul3A_204 = arith.muli %scan3A_40, %mul3A_203 : i32
        %add3A_205 = arith.constant 6 : i32
        %add3A_206 = arith.addi %mul3A_204, %add3A_205 : i32
        %slice3A_207 = vector.extract_strided_slice %get3A_43 {offsets = [6], sizes = [1], strides = [1]} : vector<16xf32> to vector<1xf32>
        %squeeze3A_208 = vector.extract %slice3A_207[0] : f32 from vector<1xf32>
        %get3A_209 = arith.index_cast %add3A_206 : i32 to index
        %get3A_210 = arith.constant 0 : index
        %get3A_211 = tpu.vector_load %arg12[%get3A_209, %get3A_210] {strides = array<i32>} : memref<80x32xf32, #tpu.memory_space<vmem>>, vector<16xf32>,
        %mul3A_212 = vector.broadcast %squeeze3A_208 : f32 to vector<16xf32>
        %mul3A_213 = arith.mulf %get3A_211, %mul3A_212 : vector<16xf32>
        %swap3A_214 = arith.index_cast %add3A_206 : i32 to index
        %swap3A_215 = arith.constant 0 : index
        %swap3A_216 = tpu.vector_load %arg13[%swap3A_214, %swap3A_215] {strides = array<i32>} : memref<80x48xf32, #tpu.memory_space<vmem>>, vector<16xf32>,
        tpu.vector_store %arg13[%swap3A_214, %swap3A_215], %mul3A_213 {strides = array<i32>} : memref<80x48xf32, #tpu.memory_space<vmem>>, vector<16xf32>,
        %get3A_217 = arith.index_cast %add3A_206 : i32 to index
        %get3A_218 = arith.constant 16 : index
        %get3A_219 = tpu.vector_load %arg12[%get3A_217, %get3A_218] {strides = array<i32>} : memref<80x32xf32, #tpu.memory_space<vmem>>, vector<16xf32>,
        %mul3A_220 = vector.broadcast %squeeze3A_208 : f32 to vector<16xf32>
        %mul3A_221 = arith.mulf %get3A_219, %mul3A_220 : vector<16xf32>
        %swap3A_222 = arith.index_cast %add3A_206 : i32 to index
        %swap3A_223 = arith.constant 16 : index
        %swap3A_224 = tpu.vector_load %arg13[%swap3A_222, %swap3A_223] {strides = array<i32>} : memref<80x48xf32, #tpu.memory_space<vmem>>, vector<16xf32>,
        tpu.vector_store %arg13[%swap3A_222, %swap3A_223], %mul3A_221 {strides = array<i32>} : memref<80x48xf32, #tpu.memory_space<vmem>>, vector<16xf32>,
        %mul3A_225 = vector.broadcast %squeeze3A_208 : f32 to vector<16xf32>
        %mul3A_226 = arith.mulf %select_n3A, %mul3A_225 : vector<16xf32>
        %swap3A_227 = arith.index_cast %add3A_206 : i32 to index
        %swap3A_228 = arith.constant 32 : index
        %swap3A_229 = tpu.vector_load %arg13[%swap3A_227, %swap3A_228] {strides = array<i32>} : memref<80x48xf32, #tpu.memory_space<vmem>>, vector<16xf32>,
        tpu.vector_store %arg13[%swap3A_227, %swap3A_228], %mul3A_226 {strides = array<i32>} : memref<80x48xf32, #tpu.memory_space<vmem>>, vector<16xf32>,
        %mul3A_230 = arith.constant 16 : i32
        %mul3A_231 = arith.muli %scan3A_40, %mul3A_230 : i32
        %add3A_232 = arith.constant 7 : i32
        %add3A_233 = arith.addi %mul3A_231, %add3A_232 : i32
        %slice3A_234 = vector.extract_strided_slice %get3A_43 {offsets = [7], sizes = [1], strides = [1]} : vector<16xf32> to vector<1xf32>
        %squeeze3A_235 = vector.extract %slice3A_234[0] : f32 from vector<1xf32>
        %get3A_236 = arith.index_cast %add3A_233 : i32 to index
        %get3A_237 = arith.constant 0 : index
        %get3A_238 = tpu.vector_load %arg12[%get3A_236, %get3A_237] {strides = array<i32>} : memref<80x32xf32, #tpu.memory_space<vmem>>, vector<16xf32>,
        %mul3A_239 = vector.broadcast %squeeze3A_235 : f32 to vector<16xf32>
        %mul3A_240 = arith.mulf %get3A_238, %mul3A_239 : vector<16xf32>
        %swap3A_241 = arith.index_cast %add3A_233 : i32 to index
        %swap3A_242 = arith.constant 0 : index
        %swap3A_243 = tpu.vector_load %arg13[%swap3A_241, %swap3A_242] {strides = array<i32>} : memref<80x48xf32, #tpu.memory_space<vmem>>, vector<16xf32>,
        tpu.vector_store %arg13[%swap3A_241, %swap3A_242], %mul3A_240 {strides = array<i32>} : memref<80x48xf32, #tpu.memory_space<vmem>>, vector<16xf32>,
        %get3A_244 = arith.index_cast %add3A_233 : i32 to index
        %get3A_245 = arith.constant 16 : index
        %get3A_246 = tpu.vector_load %arg12[%get3A_244, %get3A_245] {strides = array<i32>} : memref<80x32xf32, #tpu.memory_space<vmem>>, vector<16xf32>,
        %mul3A_247 = vector.broadcast %squeeze3A_235 : f32 to vector<16xf32>
        %mul3A_248 = arith.mulf %get3A_246, %mul3A_247 : vector<16xf32>
        %swap3A_249 = arith.index_cast %add3A_233 : i32 to index
        %swap3A_250 = arith.constant 16 : index
        %swap3A_251 = tpu.vector_load %arg13[%swap3A_249, %swap3A_250] {strides = array<i32>} : memref<80x48xf32, #tpu.memory_space<vmem>>, vector<16xf32>,
        tpu.vector_store %arg13[%swap3A_249, %swap3A_250], %mul3A_248 {strides = array<i32>} : memref<80x48xf32, #tpu.memory_space<vmem>>, vector<16xf32>,
        %mul3A_252 = vector.broadcast %squeeze3A_235 : f32 to vector<16xf32>
        %mul3A_253 = arith.mulf %select_n3A, %mul3A_252 : vector<16xf32>
        %swap3A_254 = arith.index_cast %add3A_233 : i32 to index
        %swap3A_255 = arith.constant 32 : index
        %swap3A_256 = tpu.vector_load %arg13[%swap3A_254, %swap3A_255] {strides = array<i32>} : memref<80x48xf32, #tpu.memory_space<vmem>>, vector<16xf32>,
        tpu.vector_store %arg13[%swap3A_254, %swap3A_255], %mul3A_253 {strides = array<i32>} : memref<80x48xf32, #tpu.memory_space<vmem>>, vector<16xf32>,
        %mul3A_257 = arith.constant 16 : i32
        %mul3A_258 = arith.muli %scan3A_40, %mul3A_257 : i32
        %add3A_259 = arith.constant 8 : i32
        %add3A_260 = arith.addi %mul3A_258, %add3A_259 : i32
        %slice3A_261 = vector.extract_strided_slice %get3A_43 {offsets = [8], sizes = [1], strides = [1]} : vector<16xf32> to vector<1xf32>
        %squeeze3A_262 = vector.extract %slice3A_261[0] : f32 from vector<1xf32>
        %get3A_263 = arith.index_cast %add3A_260 : i32 to index
        %get3A_264 = arith.constant 0 : index
        %get3A_265 = tpu.vector_load %arg12[%get3A_263, %get3A_264] {strides = array<i32>} : memref<80x32xf32, #tpu.memory_space<vmem>>, vector<16xf32>,
        %mul3A_266 = vector.broadcast %squeeze3A_262 : f32 to vector<16xf32>
        %mul3A_267 = arith.mulf %get3A_265, %mul3A_266 : vector<16xf32>
        %swap3A_268 = arith.index_cast %add3A_260 : i32 to index
        %swap3A_269 = arith.constant 0 : index
        %swap3A_270 = tpu.vector_load %arg13[%swap3A_268, %swap3A_269] {strides = array<i32>} : memref<80x48xf32, #tpu.memory_space<vmem>>, vector<16xf32>,
        tpu.vector_store %arg13[%swap3A_268, %swap3A_269], %mul3A_267 {strides = array<i32>} : memref<80x48xf32, #tpu.memory_space<vmem>>, vector<16xf32>,
        %get3A_271 = arith.index_cast %add3A_260 : i32 to index
        %get3A_272 = arith.constant 16 : index
        %get3A_273 = tpu.vector_load %arg12[%get3A_271, %get3A_272] {strides = array<i32>} : memref<80x32xf32, #tpu.memory_space<vmem>>, vector<16xf32>,
        %mul3A_274 = vector.broadcast %squeeze3A_262 : f32 to vector<16xf32>
        %mul3A_275 = arith.mulf %get3A_273, %mul3A_274 : vector<16xf32>
        %swap3A_276 = arith.index_cast %add3A_260 : i32 to index
        %swap3A_277 = arith.constant 16 : index
        %swap3A_278 = tpu.vector_load %arg13[%swap3A_276, %swap3A_277] {strides = array<i32>} : memref<80x48xf32, #tpu.memory_space<vmem>>, vector<16xf32>,
        tpu.vector_store %arg13[%swap3A_276, %swap3A_277], %mul3A_275 {strides = array<i32>} : memref<80x48xf32, #tpu.memory_space<vmem>>, vector<16xf32>,
        %mul3A_279 = vector.broadcast %squeeze3A_262 : f32 to vector<16xf32>
        %mul3A_280 = arith.mulf %select_n3A, %mul3A_279 : vector<16xf32>
        %swap3A_281 = arith.index_cast %add3A_260 : i32 to index
        %swap3A_282 = arith.constant 32 : index
        %swap3A_283 = tpu.vector_load %arg13[%swap3A_281, %swap3A_282] {strides = array<i32>} : memref<80x48xf32, #tpu.memory_space<vmem>>, vector<16xf32>,
        tpu.vector_store %arg13[%swap3A_281, %swap3A_282], %mul3A_280 {strides = array<i32>} : memref<80x48xf32, #tpu.memory_space<vmem>>, vector<16xf32>,
        %mul3A_284 = arith.constant 16 : i32
        %mul3A_285 = arith.muli %scan3A_40, %mul3A_284 : i32
        %add3A_286 = arith.constant 9 : i32
        %add3A_287 = arith.addi %mul3A_285, %add3A_286 : i32
        %slice3A_288 = vector.extract_strided_slice %get3A_43 {offsets = [9], sizes = [1], strides = [1]} : vector<16xf32> to vector<1xf32>
        %squeeze3A_289 = vector.extract %slice3A_288[0] : f32 from vector<1xf32>
        %get3A_290 = arith.index_cast %add3A_287 : i32 to index
        %get3A_291 = arith.constant 0 : index
        %get3A_292 = tpu.vector_load %arg12[%get3A_290, %get3A_291] {strides = array<i32>} : memref<80x32xf32, #tpu.memory_space<vmem>>, vector<16xf32>,
        %mul3A_293 = vector.broadcast %squeeze3A_289 : f32 to vector<16xf32>
        %mul3A_294 = arith.mulf %get3A_292, %mul3A_293 : vector<16xf32>
        %swap3A_295 = arith.index_cast %add3A_287 : i32 to index
        %swap3A_296 = arith.constant 0 : index
        %swap3A_297 = tpu.vector_load %arg13[%swap3A_295, %swap3A_296] {strides = array<i32>} : memref<80x48xf32, #tpu.memory_space<vmem>>, vector<16xf32>,
        tpu.vector_store %arg13[%swap3A_295, %swap3A_296], %mul3A_294 {strides = array<i32>} : memref<80x48xf32, #tpu.memory_space<vmem>>, vector<16xf32>,
        %get3A_298 = arith.index_cast %add3A_287 : i32 to index
        %get3A_299 = arith.constant 16 : index
        %get3A_300 = tpu.vector_load %arg12[%get3A_298, %get3A_299] {strides = array<i32>} : memref<80x32xf32, #tpu.memory_space<vmem>>, vector<16xf32>,
        %mul3A_301 = vector.broadcast %squeeze3A_289 : f32 to vector<16xf32>
        %mul3A_302 = arith.mulf %get3A_300, %mul3A_301 : vector<16xf32>
        %swap3A_303 = arith.index_cast %add3A_287 : i32 to index
        %swap3A_304 = arith.constant 16 : index
        %swap3A_305 = tpu.vector_load %arg13[%swap3A_303, %swap3A_304] {strides = array<i32>} : memref<80x48xf32, #tpu.memory_space<vmem>>, vector<16xf32>,
        tpu.vector_store %arg13[%swap3A_303, %swap3A_304], %mul3A_302 {strides = array<i32>} : memref<80x48xf32, #tpu.memory_space<vmem>>, vector<16xf32>,
        %mul3A_306 = vector.broadcast %squeeze3A_289 : f32 to vector<16xf32>
        %mul3A_307 = arith.mulf %select_n3A, %mul3A_306 : vector<16xf32>
        %swap3A_308 = arith.index_cast %add3A_287 : i32 to index
        %swap3A_309 = arith.constant 32 : index
        %swap3A_310 = tpu.vector_load %arg13[%swap3A_308, %swap3A_309] {strides = array<i32>} : memref<80x48xf32, #tpu.memory_space<vmem>>, vector<16xf32>,
        tpu.vector_store %arg13[%swap3A_308, %swap3A_309], %mul3A_307 {strides = array<i32>} : memref<80x48xf32, #tpu.memory_space<vmem>>, vector<16xf32>,
        %mul3A_311 = arith.constant 16 : i32
        %mul3A_312 = arith.muli %scan3A_40, %mul3A_311 : i32
        %add3A_313 = arith.constant 10 : i32
        %add3A_314 = arith.addi %mul3A_312, %add3A_313 : i32
        %slice3A_315 = vector.extract_strided_slice %get3A_43 {offsets = [10], sizes = [1], strides = [1]} : vector<16xf32> to vector<1xf32>
        %squeeze3A_316 = vector.extract %slice3A_315[0] : f32 from vector<1xf32>
        %get3A_317 = arith.index_cast %add3A_314 : i32 to index
        %get3A_318 = arith.constant 0 : index
        %get3A_319 = tpu.vector_load %arg12[%get3A_317, %get3A_318] {strides = array<i32>} : memref<80x32xf32, #tpu.memory_space<vmem>>, vector<16xf32>,
        %mul3A_320 = vector.broadcast %squeeze3A_316 : f32 to vector<16xf32>
        %mul3A_321 = arith.mulf %get3A_319, %mul3A_320 : vector<16xf32>
        %swap3A_322 = arith.index_cast %add3A_314 : i32 to index
        %swap3A_323 = arith.constant 0 : index
        %swap3A_324 = tpu.vector_load %arg13[%swap3A_322, %swap3A_323] {strides = array<i32>} : memref<80x48xf32, #tpu.memory_space<vmem>>, vector<16xf32>,
        tpu.vector_store %arg13[%swap3A_322, %swap3A_323], %mul3A_321 {strides = array<i32>} : memref<80x48xf32, #tpu.memory_space<vmem>>, vector<16xf32>,
        %get3A_325 = arith.index_cast %add3A_314 : i32 to index
        %get3A_326 = arith.constant 16 : index
        %get3A_327 = tpu.vector_load %arg12[%get3A_325, %get3A_326] {strides = array<i32>} : memref<80x32xf32, #tpu.memory_space<vmem>>, vector<16xf32>,
        %mul3A_328 = vector.broadcast %squeeze3A_316 : f32 to vector<16xf32>
        %mul3A_329 = arith.mulf %get3A_327, %mul3A_328 : vector<16xf32>
        %swap3A_330 = arith.index_cast %add3A_314 : i32 to index
        %swap3A_331 = arith.constant 16 : index
        %swap3A_332 = tpu.vector_load %arg13[%swap3A_330, %swap3A_331] {strides = array<i32>} : memref<80x48xf32, #tpu.memory_space<vmem>>, vector<16xf32>,
        tpu.vector_store %arg13[%swap3A_330, %swap3A_331], %mul3A_329 {strides = array<i32>} : memref<80x48xf32, #tpu.memory_space<vmem>>, vector<16xf32>,
        %mul3A_333 = vector.broadcast %squeeze3A_316 : f32 to vector<16xf32>
        %mul3A_334 = arith.mulf %select_n3A, %mul3A_333 : vector<16xf32>
        %swap3A_335 = arith.index_cast %add3A_314 : i32 to index
        %swap3A_336 = arith.constant 32 : index
        %swap3A_337 = tpu.vector_load %arg13[%swap3A_335, %swap3A_336] {strides = array<i32>} : memref<80x48xf32, #tpu.memory_space<vmem>>, vector<16xf32>,
        tpu.vector_store %arg13[%swap3A_335, %swap3A_336], %mul3A_334 {strides = array<i32>} : memref<80x48xf32, #tpu.memory_space<vmem>>, vector<16xf32>,
        %mul3A_338 = arith.constant 16 : i32
        %mul3A_339 = arith.muli %scan3A_40, %mul3A_338 : i32
        %add3A_340 = arith.constant 11 : i32
        %add3A_341 = arith.addi %mul3A_339, %add3A_340 : i32
        %slice3A_342 = vector.extract_strided_slice %get3A_43 {offsets = [11], sizes = [1], strides = [1]} : vector<16xf32> to vector<1xf32>
        %squeeze3A_343 = vector.extract %slice3A_342[0] : f32 from vector<1xf32>
        %get3A_344 = arith.index_cast %add3A_341 : i32 to index
        %get3A_345 = arith.constant 0 : index
        %get3A_346 = tpu.vector_load %arg12[%get3A_344, %get3A_345] {strides = array<i32>} : memref<80x32xf32, #tpu.memory_space<vmem>>, vector<16xf32>,
        %mul3A_347 = vector.broadcast %squeeze3A_343 : f32 to vector<16xf32>
        %mul3A_348 = arith.mulf %get3A_346, %mul3A_347 : vector<16xf32>
        %swap3A_349 = arith.index_cast %add3A_341 : i32 to index
        %swap3A_350 = arith.constant 0 : index
        %swap3A_351 = tpu.vector_load %arg13[%swap3A_349, %swap3A_350] {strides = array<i32>} : memref<80x48xf32, #tpu.memory_space<vmem>>, vector<16xf32>,
        tpu.vector_store %arg13[%swap3A_349, %swap3A_350], %mul3A_348 {strides = array<i32>} : memref<80x48xf32, #tpu.memory_space<vmem>>, vector<16xf32>,
        %get3A_352 = arith.index_cast %add3A_341 : i32 to index
        %get3A_353 = arith.constant 16 : index
        %get3A_354 = tpu.vector_load %arg12[%get3A_352, %get3A_353] {strides = array<i32>} : memref<80x32xf32, #tpu.memory_space<vmem>>, vector<16xf32>,
        %mul3A_355 = vector.broadcast %squeeze3A_343 : f32 to vector<16xf32>
        %mul3A_356 = arith.mulf %get3A_354, %mul3A_355 : vector<16xf32>
        %swap3A_357 = arith.index_cast %add3A_341 : i32 to index
        %swap3A_358 = arith.constant 16 : index
        %swap3A_359 = tpu.vector_load %arg13[%swap3A_357, %swap3A_358] {strides = array<i32>} : memref<80x48xf32, #tpu.memory_space<vmem>>, vector<16xf32>,
        tpu.vector_store %arg13[%swap3A_357, %swap3A_358], %mul3A_356 {strides = array<i32>} : memref<80x48xf32, #tpu.memory_space<vmem>>, vector<16xf32>,
        %mul3A_360 = vector.broadcast %squeeze3A_343 : f32 to vector<16xf32>
        %mul3A_361 = arith.mulf %select_n3A, %mul3A_360 : vector<16xf32>
        %swap3A_362 = arith.index_cast %add3A_341 : i32 to index
        %swap3A_363 = arith.constant 32 : index
        %swap3A_364 = tpu.vector_load %arg13[%swap3A_362, %swap3A_363] {strides = array<i32>} : memref<80x48xf32, #tpu.memory_space<vmem>>, vector<16xf32>,
        tpu.vector_store %arg13[%swap3A_362, %swap3A_363], %mul3A_361 {strides = array<i32>} : memref<80x48xf32, #tpu.memory_space<vmem>>, vector<16xf32>,
        %mul3A_365 = arith.constant 16 : i32
        %mul3A_366 = arith.muli %scan3A_40, %mul3A_365 : i32
        %add3A_367 = arith.constant 12 : i32
        %add3A_368 = arith.addi %mul3A_366, %add3A_367 : i32
        %slice3A_369 = vector.extract_strided_slice %get3A_43 {offsets = [12], sizes = [1], strides = [1]} : vector<16xf32> to vector<1xf32>
        %squeeze3A_370 = vector.extract %slice3A_369[0] : f32 from vector<1xf32>
        %get3A_371 = arith.index_cast %add3A_368 : i32 to index
        %get3A_372 = arith.constant 0 : index
        %get3A_373 = tpu.vector_load %arg12[%get3A_371, %get3A_372] {strides = array<i32>} : memref<80x32xf32, #tpu.memory_space<vmem>>, vector<16xf32>,
        %mul3A_374 = vector.broadcast %squeeze3A_370 : f32 to vector<16xf32>
        %mul3A_375 = arith.mulf %get3A_373, %mul3A_374 : vector<16xf32>
        %swap3A_376 = arith.index_cast %add3A_368 : i32 to index
        %swap3A_377 = arith.constant 0 : index
        %swap3A_378 = tpu.vector_load %arg13[%swap3A_376, %swap3A_377] {strides = array<i32>} : memref<80x48xf32, #tpu.memory_space<vmem>>, vector<16xf32>,
        tpu.vector_store %arg13[%swap3A_376, %swap3A_377], %mul3A_375 {strides = array<i32>} : memref<80x48xf32, #tpu.memory_space<vmem>>, vector<16xf32>,
        %get3A_379 = arith.index_cast %add3A_368 : i32 to index
        %get3A_380 = arith.constant 16 : index
        %get3A_381 = tpu.vector_load %arg12[%get3A_379, %get3A_380] {strides = array<i32>} : memref<80x32xf32, #tpu.memory_space<vmem>>, vector<16xf32>,
        %mul3A_382 = vector.broadcast %squeeze3A_370 : f32 to vector<16xf32>
        %mul3A_383 = arith.mulf %get3A_381, %mul3A_382 : vector<16xf32>
        %swap3A_384 = arith.index_cast %add3A_368 : i32 to index
        %swap3A_385 = arith.constant 16 : index
        %swap3A_386 = tpu.vector_load %arg13[%swap3A_384, %swap3A_385] {strides = array<i32>} : memref<80x48xf32, #tpu.memory_space<vmem>>, vector<16xf32>,
        tpu.vector_store %arg13[%swap3A_384, %swap3A_385], %mul3A_383 {strides = array<i32>} : memref<80x48xf32, #tpu.memory_space<vmem>>, vector<16xf32>,
        %mul3A_387 = vector.broadcast %squeeze3A_370 : f32 to vector<16xf32>
        %mul3A_388 = arith.mulf %select_n3A, %mul3A_387 : vector<16xf32>
        %swap3A_389 = arith.index_cast %add3A_368 : i32 to index
        %swap3A_390 = arith.constant 32 : index
        %swap3A_391 = tpu.vector_load %arg13[%swap3A_389, %swap3A_390] {strides = array<i32>} : memref<80x48xf32, #tpu.memory_space<vmem>>, vector<16xf32>,
        tpu.vector_store %arg13[%swap3A_389, %swap3A_390], %mul3A_388 {strides = array<i32>} : memref<80x48xf32, #tpu.memory_space<vmem>>, vector<16xf32>,
        %mul3A_392 = arith.constant 16 : i32
        %mul3A_393 = arith.muli %scan3A_40, %mul3A_392 : i32
        %add3A_394 = arith.constant 13 : i32
        %add3A_395 = arith.addi %mul3A_393, %add3A_394 : i32
        %slice3A_396 = vector.extract_strided_slice %get3A_43 {offsets = [13], sizes = [1], strides = [1]} : vector<16xf32> to vector<1xf32>
        %squeeze3A_397 = vector.extract %slice3A_396[0] : f32 from vector<1xf32>
        %get3A_398 = arith.index_cast %add3A_395 : i32 to index
        %get3A_399 = arith.constant 0 : index
        %get3A_400 = tpu.vector_load %arg12[%get3A_398, %get3A_399] {strides = array<i32>} : memref<80x32xf32, #tpu.memory_space<vmem>>, vector<16xf32>,
        %mul3A_401 = vector.broadcast %squeeze3A_397 : f32 to vector<16xf32>
        %mul3A_402 = arith.mulf %get3A_400, %mul3A_401 : vector<16xf32>
        %swap3A_403 = arith.index_cast %add3A_395 : i32 to index
        %swap3A_404 = arith.constant 0 : index
        %swap3A_405 = tpu.vector_load %arg13[%swap3A_403, %swap3A_404] {strides = array<i32>} : memref<80x48xf32, #tpu.memory_space<vmem>>, vector<16xf32>,
        tpu.vector_store %arg13[%swap3A_403, %swap3A_404], %mul3A_402 {strides = array<i32>} : memref<80x48xf32, #tpu.memory_space<vmem>>, vector<16xf32>,
        %get3A_406 = arith.index_cast %add3A_395 : i32 to index
        %get3A_407 = arith.constant 16 : index
        %get3A_408 = tpu.vector_load %arg12[%get3A_406, %get3A_407] {strides = array<i32>} : memref<80x32xf32, #tpu.memory_space<vmem>>, vector<16xf32>,
        %mul3A_409 = vector.broadcast %squeeze3A_397 : f32 to vector<16xf32>
        %mul3A_410 = arith.mulf %get3A_408, %mul3A_409 : vector<16xf32>
        %swap3A_411 = arith.index_cast %add3A_395 : i32 to index
        %swap3A_412 = arith.constant 16 : index
        %swap3A_413 = tpu.vector_load %arg13[%swap3A_411, %swap3A_412] {strides = array<i32>} : memref<80x48xf32, #tpu.memory_space<vmem>>, vector<16xf32>,
        tpu.vector_store %arg13[%swap3A_411, %swap3A_412], %mul3A_410 {strides = array<i32>} : memref<80x48xf32, #tpu.memory_space<vmem>>, vector<16xf32>,
        %mul3A_414 = vector.broadcast %squeeze3A_397 : f32 to vector<16xf32>
        %mul3A_415 = arith.mulf %select_n3A, %mul3A_414 : vector<16xf32>
        %swap3A_416 = arith.index_cast %add3A_395 : i32 to index
        %swap3A_417 = arith.constant 32 : index
        %swap3A_418 = tpu.vector_load %arg13[%swap3A_416, %swap3A_417] {strides = array<i32>} : memref<80x48xf32, #tpu.memory_space<vmem>>, vector<16xf32>,
        tpu.vector_store %arg13[%swap3A_416, %swap3A_417], %mul3A_415 {strides = array<i32>} : memref<80x48xf32, #tpu.memory_space<vmem>>, vector<16xf32>,
        %mul3A_419 = arith.constant 16 : i32
        %mul3A_420 = arith.muli %scan3A_40, %mul3A_419 : i32
        %add3A_421 = arith.constant 14 : i32
        %add3A_422 = arith.addi %mul3A_420, %add3A_421 : i32
        %slice3A_423 = vector.extract_strided_slice %get3A_43 {offsets = [14], sizes = [1], strides = [1]} : vector<16xf32> to vector<1xf32>
        %squeeze3A_424 = vector.extract %slice3A_423[0] : f32 from vector<1xf32>
        %get3A_425 = arith.index_cast %add3A_422 : i32 to index
        %get3A_426 = arith.constant 0 : index
        %get3A_427 = tpu.vector_load %arg12[%get3A_425, %get3A_426] {strides = array<i32>} : memref<80x32xf32, #tpu.memory_space<vmem>>, vector<16xf32>,
        %mul3A_428 = vector.broadcast %squeeze3A_424 : f32 to vector<16xf32>
        %mul3A_429 = arith.mulf %get3A_427, %mul3A_428 : vector<16xf32>
        %swap3A_430 = arith.index_cast %add3A_422 : i32 to index
        %swap3A_431 = arith.constant 0 : index
        %swap3A_432 = tpu.vector_load %arg13[%swap3A_430, %swap3A_431] {strides = array<i32>} : memref<80x48xf32, #tpu.memory_space<vmem>>, vector<16xf32>,
        tpu.vector_store %arg13[%swap3A_430, %swap3A_431], %mul3A_429 {strides = array<i32>} : memref<80x48xf32, #tpu.memory_space<vmem>>, vector<16xf32>,
        %get3A_433 = arith.index_cast %add3A_422 : i32 to index
        %get3A_434 = arith.constant 16 : index
        %get3A_435 = tpu.vector_load %arg12[%get3A_433, %get3A_434] {strides = array<i32>} : memref<80x32xf32, #tpu.memory_space<vmem>>, vector<16xf32>,
        %mul3A_436 = vector.broadcast %squeeze3A_424 : f32 to vector<16xf32>
        %mul3A_437 = arith.mulf %get3A_435, %mul3A_436 : vector<16xf32>
        %swap3A_438 = arith.index_cast %add3A_422 : i32 to index
        %swap3A_439 = arith.constant 16 : index
        %swap3A_440 = tpu.vector_load %arg13[%swap3A_438, %swap3A_439] {strides = array<i32>} : memref<80x48xf32, #tpu.memory_space<vmem>>, vector<16xf32>,
        tpu.vector_store %arg13[%swap3A_438, %swap3A_439], %mul3A_437 {strides = array<i32>} : memref<80x48xf32, #tpu.memory_space<vmem>>, vector<16xf32>,
        %mul3A_441 = vector.broadcast %squeeze3A_424 : f32 to vector<16xf32>
        %mul3A_442 = arith.mulf %select_n3A, %mul3A_441 : vector<16xf32>
        %swap3A_443 = arith.index_cast %add3A_422 : i32 to index
        %swap3A_444 = arith.constant 32 : index
        %swap3A_445 = tpu.vector_load %arg13[%swap3A_443, %swap3A_444] {strides = array<i32>} : memref<80x48xf32, #tpu.memory_space<vmem>>, vector<16xf32>,
        tpu.vector_store %arg13[%swap3A_443, %swap3A_444], %mul3A_442 {strides = array<i32>} : memref<80x48xf32, #tpu.memory_space<vmem>>, vector<16xf32>,
        %mul3A_446 = arith.constant 16 : i32
        %mul3A_447 = arith.muli %scan3A_40, %mul3A_446 : i32
        %add3A_448 = arith.constant 15 : i32
        %add3A_449 = arith.addi %mul3A_447, %add3A_448 : i32
        %slice3A_450 = vector.extract_strided_slice %get3A_43 {offsets = [15], sizes = [1], strides = [1]} : vector<16xf32> to vector<1xf32>
        %squeeze3A_451 = vector.extract %slice3A_450[0] : f32 from vector<1xf32>
        %get3A_452 = arith.index_cast %add3A_449 : i32 to index
        %get3A_453 = arith.constant 0 : index
        %get3A_454 = tpu.vector_load %arg12[%get3A_452, %get3A_453] {strides = array<i32>} : memref<80x32xf32, #tpu.memory_space<vmem>>, vector<16xf32>,
        %mul3A_455 = vector.broadcast %squeeze3A_451 : f32 to vector<16xf32>
        %mul3A_456 = arith.mulf %get3A_454, %mul3A_455 : vector<16xf32>
        %swap3A_457 = arith.index_cast %add3A_449 : i32 to index
        %swap3A_458 = arith.constant 0 : index
        %swap3A_459 = tpu.vector_load %arg13[%swap3A_457, %swap3A_458] {strides = array<i32>} : memref<80x48xf32, #tpu.memory_space<vmem>>, vector<16xf32>,
        tpu.vector_store %arg13[%swap3A_457, %swap3A_458], %mul3A_456 {strides = array<i32>} : memref<80x48xf32, #tpu.memory_space<vmem>>, vector<16xf32>,
        %get3A_460 = arith.index_cast %add3A_449 : i32 to index
        %get3A_461 = arith.constant 16 : index
        %get3A_462 = tpu.vector_load %arg12[%get3A_460, %get3A_461] {strides = array<i32>} : memref<80x32xf32, #tpu.memory_space<vmem>>, vector<16xf32>,
        %mul3A_463 = vector.broadcast %squeeze3A_451 : f32 to vector<16xf32>
        %mul3A_464 = arith.mulf %get3A_462, %mul3A_463 : vector<16xf32>
        %swap3A_465 = arith.index_cast %add3A_449 : i32 to index
        %swap3A_466 = arith.constant 16 : index
        %swap3A_467 = tpu.vector_load %arg13[%swap3A_465, %swap3A_466] {strides = array<i32>} : memref<80x48xf32, #tpu.memory_space<vmem>>, vector<16xf32>,
        tpu.vector_store %arg13[%swap3A_465, %swap3A_466], %mul3A_464 {strides = array<i32>} : memref<80x48xf32, #tpu.memory_space<vmem>>, vector<16xf32>,
        %mul3A_468 = vector.broadcast %squeeze3A_451 : f32 to vector<16xf32>
        %mul3A_469 = arith.mulf %select_n3A, %mul3A_468 : vector<16xf32>
        %swap3A_470 = arith.index_cast %add3A_449 : i32 to index
        %swap3A_471 = arith.constant 32 : index
        %swap3A_472 = tpu.vector_load %arg13[%swap3A_470, %swap3A_471] {strides = array<i32>} : memref<80x48xf32, #tpu.memory_space<vmem>>, vector<16xf32>,
        tpu.vector_store %arg13[%swap3A_470, %swap3A_471], %mul3A_469 {strides = array<i32>} : memref<80x48xf32, #tpu.memory_space<vmem>>, vector<16xf32>,
      }
      %scan3A_39 = arith.constant 5 : i32
      "tpu.region"() ({
        %run_scoped3A = tpu.sem_alloc : memref<!tpu.dma_semaphore, #tpu.memory_space<semaphore_mem>>
        %dma_start3A_40 = arith.constant 0 : i32
        %dma_start3A_41 = arith.constant 0 : i32
        %dma_start3A_42 = tpu.memref_slice %arg14[%dma_start3A_40, %dma_start3A_41] : memref<10112x48xf32, #tpu.memory_space<vmem_shared>> -> memref<10112x48xf32, #tpu.memory_space<vmem_shared>>
        tpu.enqueue_indirect_dma source(%arg13 : memref<80x48xf32, #tpu.memory_space<vmem>>) target(%dma_start3A_42 : memref<10112x48xf32, #tpu.memory_space<vmem_shared>>) offsets(%arg9 : memref<80xi32, #tpu.memory_space<vmem>>) semaphore(%run_scoped3A : memref<!tpu.dma_semaphore, #tpu.memory_space<semaphore_mem>>) {add = true}
        %dma_wait3A_43 = arith.constant 0 : i32
        %dma_wait3A_44 = arith.constant 0 : i32
        %dma_wait3A_45 = tpu.memref_slice %arg14[%dma_wait3A_43, %dma_wait3A_44] : memref<10112x48xf32, #tpu.memory_space<vmem_shared>> -> memref<10112x48xf32, #tpu.memory_space<vmem_shared>>
        tpu.wait_indirect_dma semaphore(%run_scoped3A : memref<!tpu.dma_semaphore, #tpu.memory_space<semaphore_mem>>) src(%arg13 : memref<80x48xf32, #tpu.memory_space<vmem>>) dst(%dma_wait3A_45 : memref<10112x48xf32, #tpu.memory_space<vmem_shared>>)
        tpu.yield
      }) : () -> ()
    }
    %scan3A_14 = arith.constant 125 : i32
    %barrier3A_15 = arith.constant 0 : index
    tpu.barrier barrier_id(%barrier3A_15)
    %mul3A_16 = arith.constant 632 : i32
    %mul3A_17 = arith.muli %arg1, %mul3A_16 : i32
    %mul3A_18 = arith.constant 632 : i32
    %mul3A_19 = arith.muli %arg1, %mul3A_18 : i32
    "tpu.region"() ({
      %run_scoped3A = tpu.sem_alloc : memref<!tpu.dma_semaphore, #tpu.memory_space<semaphore_mem>>
      %dma_start3A = arith.constant 0 : i32
      %dma_start3A_20 = tpu.memref_slice %arg7[%arg0, %mul3A_19, %dma_start3A] : memref<2x10112x48xf32, #tpu.memory_space<hbm>> -> memref<1x632x48xf32, #tpu.memory_space<hbm>>
      %dma_start3A_21 = tpu.memref_squeeze %dma_start3A_20 : memref<1x632x48xf32, #tpu.memory_space<hbm>> -> memref<632x48xf32, #tpu.memory_space<hbm>>
      %dma_start3A_22 = arith.constant 0 : i32
      %dma_start3A_23 = tpu.memref_slice %arg14[%mul3A_17, %dma_start3A_22] : memref<10112x48xf32, #tpu.memory_space<vmem_shared>> -> memref<632x48xf32, #tpu.memory_space<vmem_shared>>
      tpu.enqueue_dma source(%dma_start3A_23 : memref<632x48xf32, #tpu.memory_space<vmem_shared>>) target(%dma_start3A_21 : memref<632x48xf32, #tpu.memory_space<hbm>>) target_semaphore(%run_scoped3A : memref<!tpu.dma_semaphore, #tpu.memory_space<semaphore_mem>>)
      %dma_wait3A = arith.constant 0 : i32
      %dma_wait3A_24 = tpu.memref_slice %arg7[%arg0, %mul3A_19, %dma_wait3A] : memref<2x10112x48xf32, #tpu.memory_space<hbm>> -> memref<1x632x48xf32, #tpu.memory_space<hbm>>
      %dma_wait3A_25 = tpu.memref_squeeze %dma_wait3A_24 : memref<1x632x48xf32, #tpu.memory_space<hbm>> -> memref<632x48xf32, #tpu.memory_space<hbm>>
      %dma_wait3A_26 = arith.constant 0 : i32
      %dma_wait3A_27 = tpu.memref_slice %arg14[%mul3A_17, %dma_wait3A_26] : memref<10112x48xf32, #tpu.memory_space<vmem_shared>> -> memref<632x48xf32, #tpu.memory_space<vmem_shared>>
      tpu.wait_dma2 semaphore(%run_scoped3A : memref<!tpu.dma_semaphore, #tpu.memory_space<semaphore_mem>>) src(%dma_wait3A_27 : memref<632x48xf32, #tpu.memory_space<vmem_shared>>) dst(%dma_wait3A_25 : memref<632x48xf32, #tpu.memory_space<hbm>>)
      tpu.yield
    }) : () -> ()
    return
  }
}

module attributes {stable_mosaic.version = 14 : i64} {
  func.func @_tc_a_body(%arg0: i32, %arg1: memref<1000x128xf32, #tpu.memory_space<vmem>>, %arg2: memref<128x128xf32, #tpu.memory_space<vmem>>, %arg3: memref<128x16xf32, #tpu.memory_space<vmem>>, %arg4: memref<128x16xf32, #tpu.memory_space<vmem>>, %arg5: memref<1000x128xf32, #tpu.memory_space<vmem>>, %arg6: memref<1000x16xf32, #tpu.memory_space<vmem>>, %arg7: memref<1000x16xf32, #tpu.memory_space<vmem>>) attributes {dimension_semantics = [#tpu.dimension_semantics<arbitrary>], iteration_bounds = array<i64: 10>, scalar_prefetch = 0 : i64, scratch_operands = 0 : i64, tpu.core_type = #tpu.core_type<tc>, window_params = [{transform_indices = @transform_0, window_bounds = array<i64: 1000, 128>}, {pipeline_mode = #tpu.pipeline_mode<synchronous>, transform_indices = @transform_1, window_bounds = array<i64: 128, 128>}, {pipeline_mode = #tpu.pipeline_mode<synchronous>, transform_indices = @transform_2, window_bounds = array<i64: 128, 16>}, {pipeline_mode = #tpu.pipeline_mode<synchronous>, transform_indices = @transform_3, window_bounds = array<i64: 128, 16>}, {transform_indices = @transform_4, window_bounds = array<i64: 1000, 128>}, {transform_indices = @transform_5, window_bounds = array<i64: 1000, 16>}, {transform_indices = @transform_6, window_bounds = array<i64: 1000, 16>}]} {
    %get3A = arith.constant 0 : index
    %get3A_0 = arith.constant 0 : index
    %get3A_1 = vector.load %arg1[%get3A, %get3A_0] : memref<1000x128xf32, #tpu.memory_space<vmem>>, vector<1000x128xf32>
    %get3A_2 = arith.constant 0 : index
    %get3A_3 = arith.constant 0 : index
    %get3A_4 = vector.load %arg2[%get3A_2, %get3A_3] : memref<128x128xf32, #tpu.memory_space<vmem>>, vector<128x128xf32>
    %dot_general3A = arith.constant dense<0.000000e+00> : vector<1000x128xf32>
    %dot_general3A_5 = tpu.matmul %get3A_1, %get3A_4, %dot_general3A {dimension_numbers = #tpu.dot_dimension_numbers<[1], [0], [0], [1], [0, 0, 1, 1], [], []>, transpose_lhs_hint = false} : vector<1000x128xf32>, vector<128x128xf32>, vector<1000x128xf32> -> vector<1000x128xf32>
    %swap3A = arith.constant 0 : index
    %swap3A_6 = arith.constant 0 : index
    %swap3A_7 = vector.load %arg5[%swap3A, %swap3A_6] : memref<1000x128xf32, #tpu.memory_space<vmem>>, vector<1000x128xf32>
    tpu.vector_store %arg5[%swap3A, %swap3A_6], %dot_general3A_5 {strides = array<i32>} : memref<1000x128xf32, #tpu.memory_space<vmem>>, vector<1000x128xf32>,
    %get3A_8 = arith.constant 0 : index
    %get3A_9 = arith.constant 0 : index
    %get3A_10 = vector.load %arg3[%get3A_8, %get3A_9] : memref<128x16xf32, #tpu.memory_space<vmem>>, vector<128x16xf32>
    %dot_general3A_11 = arith.constant dense<0.000000e+00> : vector<1000x16xf32>
    %dot_general3A_12 = tpu.matmul %dot_general3A_5, %get3A_10, %dot_general3A_11 {dimension_numbers = #tpu.dot_dimension_numbers<[1], [0], [0], [1], [0, 0, 1, 1], [], []>, transpose_lhs_hint = false} : vector<1000x128xf32>, vector<128x16xf32>, vector<1000x16xf32> -> vector<1000x16xf32>
    %swap3A_13 = arith.constant 0 : index
    %swap3A_14 = arith.constant 0 : index
    %swap3A_15 = vector.load %arg6[%swap3A_13, %swap3A_14] : memref<1000x16xf32, #tpu.memory_space<vmem>>, vector<1000x16xf32>
    tpu.vector_store %arg6[%swap3A_13, %swap3A_14], %dot_general3A_12 {strides = array<i32>} : memref<1000x16xf32, #tpu.memory_space<vmem>>, vector<1000x16xf32>,
    %get3A_16 = arith.constant 0 : index
    %get3A_17 = arith.constant 0 : index
    %get3A_18 = vector.load %arg4[%get3A_16, %get3A_17] : memref<128x16xf32, #tpu.memory_space<vmem>>, vector<128x16xf32>
    %dot_general3A_19 = arith.constant dense<0.000000e+00> : vector<1000x16xf32>
    %dot_general3A_20 = tpu.matmul %dot_general3A_5, %get3A_18, %dot_general3A_19 {dimension_numbers = #tpu.dot_dimension_numbers<[1], [0], [0], [1], [0, 0, 1, 1], [], []>, transpose_lhs_hint = false} : vector<1000x128xf32>, vector<128x16xf32>, vector<1000x16xf32> -> vector<1000x16xf32>
    %swap3A_21 = arith.constant 0 : index
    %swap3A_22 = arith.constant 0 : index
    %swap3A_23 = vector.load %arg7[%swap3A_21, %swap3A_22] : memref<1000x16xf32, #tpu.memory_space<vmem>>, vector<1000x16xf32>
    tpu.vector_store %arg7[%swap3A_21, %swap3A_22], %dot_general3A_20 {strides = array<i32>} : memref<1000x16xf32, #tpu.memory_space<vmem>>, vector<1000x16xf32>,
    return
  }
  func.func @transform_0(%arg0: i32) -> (i32, i32) {
    %c0_i32 = arith.constant 0 : i32
    %c0_i32_0 = arith.constant 0 : i32
    return %arg0, %c0_i32 : i32, i32
  }
  func.func @transform_1(%arg0: i32) -> (i32, i32) {
    %c0_i32 = arith.constant 0 : i32
    %c0_i32_0 = arith.constant 0 : i32
    %c0_i32_1 = arith.constant 0 : i32
    return %c0_i32, %c0_i32_0 : i32, i32
  }
  func.func @transform_2(%arg0: i32) -> (i32, i32) {
    %c0_i32 = arith.constant 0 : i32
    %c0_i32_0 = arith.constant 0 : i32
    %c0_i32_1 = arith.constant 0 : i32
    return %c0_i32, %c0_i32_0 : i32, i32
  }
  func.func @transform_3(%arg0: i32) -> (i32, i32) {
    %c0_i32 = arith.constant 0 : i32
    %c0_i32_0 = arith.constant 0 : i32
    %c0_i32_1 = arith.constant 0 : i32
    return %c0_i32, %c0_i32_0 : i32, i32
  }
  func.func @transform_4(%arg0: i32) -> (i32, i32) {
    %c0_i32 = arith.constant 0 : i32
    %c0_i32_0 = arith.constant 0 : i32
    return %arg0, %c0_i32 : i32, i32
  }
  func.func @transform_5(%arg0: i32) -> (i32, i32) {
    %c0_i32 = arith.constant 0 : i32
    %c0_i32_0 = arith.constant 0 : i32
    return %arg0, %c0_i32 : i32, i32
  }
  func.func @transform_6(%arg0: i32) -> (i32, i32) {
    %c0_i32 = arith.constant 0 : i32
    %c0_i32_0 = arith.constant 0 : i32
    return %arg0, %c0_i32 : i32, i32
  }
}

module attributes {stable_mosaic.version = 14 : i64} {
  func.func @_tc_b_body(%arg0: i32, %arg1: memref<2x1000x144xf32, #tpu.memory_space<vmem>>, %arg2: memref<8x128xf32, #tpu.memory_space<vmem>>, %arg3: memref<1x128xf32, #tpu.memory_space<vmem>>, %arg4: memref<1x128xf32, #tpu.memory_space<vmem>>, %arg5: memref<1x128xf32, #tpu.memory_space<vmem>>, %arg6: memref<128x32xf32, #tpu.memory_space<vmem>>, %arg7: memref<32x8xf32, #tpu.memory_space<vmem>>, %arg8: memref<1000x32xf32, #tpu.memory_space<vmem>>, %arg9: memref<1000x8xf32, #tpu.memory_space<vmem>>) attributes {dimension_semantics = [#tpu.dimension_semantics<arbitrary>], iteration_bounds = array<i64: 10>, scalar_prefetch = 0 : i64, scratch_operands = 0 : i64, tpu.core_type = #tpu.core_type<tc>, window_params = [{transform_indices = @transform_0, window_bounds = array<i64: 2, 1000, 144>}, {pipeline_mode = #tpu.pipeline_mode<synchronous>, transform_indices = @transform_1, window_bounds = array<i64: 8, 128>}, {pipeline_mode = #tpu.pipeline_mode<synchronous>, transform_indices = @transform_2, window_bounds = array<i64: 1, 128>}, {pipeline_mode = #tpu.pipeline_mode<synchronous>, transform_indices = @transform_3, window_bounds = array<i64: 1, 128>}, {pipeline_mode = #tpu.pipeline_mode<synchronous>, transform_indices = @transform_4, window_bounds = array<i64: 1, 128>}, {pipeline_mode = #tpu.pipeline_mode<synchronous>, transform_indices = @transform_5, window_bounds = array<i64: 128, 32>}, {pipeline_mode = #tpu.pipeline_mode<synchronous>, transform_indices = @transform_6, window_bounds = array<i64: 32, 8>}, {transform_indices = @transform_7, window_bounds = array<i64: 1000, 32>}, {transform_indices = @transform_8, window_bounds = array<i64: 1000, 8>}]} {
    %get3A = arith.constant 0 : index
    %get3A_0 = arith.constant 0 : index
    %get3A_1 = arith.constant 0 : index
    %get3A_2 = vector.load %arg1[%get3A, %get3A_0, %get3A_1] : memref<2x1000x144xf32, #tpu.memory_space<vmem>>, vector<1x1000x144xf32>
    %get3A_3 = vector.shape_cast %get3A_2 : vector<1x1000x144xf32> to vector<1000x144xf32>
    %get3A_4 = arith.constant 1 : index
    %get3A_5 = arith.constant 0 : index
    %get3A_6 = arith.constant 0 : index
    %get3A_7 = vector.load %arg1[%get3A_4, %get3A_5, %get3A_6] : memref<2x1000x144xf32, #tpu.memory_space<vmem>>, vector<1x1000x144xf32>
    %get3A_8 = vector.shape_cast %get3A_7 : vector<1x1000x144xf32> to vector<1000x144xf32>
    %add3A = arith.addf %get3A_3, %get3A_8 : vector<1000x144xf32>
    %slice3A = vector.extract_strided_slice %add3A {offsets = [0, 0], sizes = [1000, 128], strides = [1, 1]} : vector<1000x144xf32> to vector<1000x128xf32>
    %slice3A_9 = vector.extract_strided_slice %add3A {offsets = [0, 128], sizes = [1000, 8], strides = [1, 1]} : vector<1000x144xf32> to vector<1000x8xf32>
    %get3A_10 = arith.constant 0 : index
    %get3A_11 = arith.constant 0 : index
    %get3A_12 = vector.load %arg2[%get3A_10, %get3A_11] : memref<8x128xf32, #tpu.memory_space<vmem>>, vector<8x128xf32>
    %dot_general3A = arith.constant dense<0.000000e+00> : vector<1000x128xf32>
    %dot_general3A_13 = tpu.matmul %slice3A_9, %get3A_12, %dot_general3A {dimension_numbers = #tpu.dot_dimension_numbers<[1], [0], [0], [1], [0, 0, 1, 1], [], []>, transpose_lhs_hint = false} : vector<1000x8xf32>, vector<8x128xf32>, vector<1000x128xf32> -> vector<1000x128xf32>
    %add3A_14 = arith.constant 1.000000e-16 : f32
    %add3A_15 = vector.broadcast %add3A_14 : f32 to vector<1000x128xf32>
    %add3A_16 = arith.addf %dot_general3A_13, %add3A_15 : vector<1000x128xf32>
    %div3A = arith.divf %slice3A, %add3A_16 : vector<1000x128xf32>
    %get3A_17 = arith.constant 0 : index
    %get3A_18 = arith.constant 0 : index
    %get3A_19 = vector.load %arg3[%get3A_17, %get3A_18] : memref<1x128xf32, #tpu.memory_space<vmem>>, vector<1x128xf32>
    %add3A_20 = vector.broadcast %get3A_19 : vector<1x128xf32> to vector<1000x128xf32>
    %add3A_21 = arith.addf %div3A, %add3A_20 : vector<1000x128xf32>
    %max3A = arith.constant 0.000000e+00 : f32
    %max3A_22 = vector.broadcast %max3A : f32 to vector<1000x128xf32>
    %max3A_23 = arith.maximumf %add3A_21, %max3A_22 : vector<1000x128xf32>
    %get3A_24 = arith.constant 0 : index
    %get3A_25 = arith.constant 0 : index
    %get3A_26 = vector.load %arg4[%get3A_24, %get3A_25] : memref<1x128xf32, #tpu.memory_space<vmem>>, vector<1x128xf32>
    %mul3A = vector.broadcast %get3A_26 : vector<1x128xf32> to vector<1000x128xf32>
    %mul3A_27 = arith.mulf %max3A_23, %mul3A : vector<1000x128xf32>
    %get3A_28 = arith.constant 0 : index
    %get3A_29 = arith.constant 0 : index
    %get3A_30 = vector.load %arg5[%get3A_28, %get3A_29] : memref<1x128xf32, #tpu.memory_space<vmem>>, vector<1x128xf32>
    %add3A_31 = vector.broadcast %get3A_30 : vector<1x128xf32> to vector<1000x128xf32>
    %add3A_32 = arith.addf %mul3A_27, %add3A_31 : vector<1000x128xf32>
    %get3A_33 = arith.constant 0 : index
    %get3A_34 = arith.constant 0 : index
    %get3A_35 = vector.load %arg6[%get3A_33, %get3A_34] : memref<128x32xf32, #tpu.memory_space<vmem>>, vector<128x32xf32>
    %dot_general3A_36 = arith.constant dense<0.000000e+00> : vector<1000x32xf32>
    %dot_general3A_37 = tpu.matmul %add3A_32, %get3A_35, %dot_general3A_36 {dimension_numbers = #tpu.dot_dimension_numbers<[1], [0], [0], [1], [0, 0, 1, 1], [], []>, transpose_lhs_hint = false} : vector<1000x128xf32>, vector<128x32xf32>, vector<1000x32xf32> -> vector<1000x32xf32>
    %swap3A = arith.constant 0 : index
    %swap3A_38 = arith.constant 0 : index
    %swap3A_39 = vector.load %arg8[%swap3A, %swap3A_38] : memref<1000x32xf32, #tpu.memory_space<vmem>>, vector<1000x32xf32>
    tpu.vector_store %arg8[%swap3A, %swap3A_38], %dot_general3A_37 {strides = array<i32>} : memref<1000x32xf32, #tpu.memory_space<vmem>>, vector<1000x32xf32>,
    %get3A_40 = arith.constant 0 : index
    %get3A_41 = arith.constant 0 : index
    %get3A_42 = vector.load %arg7[%get3A_40, %get3A_41] : memref<32x8xf32, #tpu.memory_space<vmem>>, vector<32x8xf32>
    %dot_general3A_43 = arith.constant dense<0.000000e+00> : vector<1000x8xf32>
    %dot_general3A_44 = tpu.matmul %dot_general3A_37, %get3A_42, %dot_general3A_43 {dimension_numbers = #tpu.dot_dimension_numbers<[1], [0], [0], [1], [0, 0, 1, 1], [], []>, transpose_lhs_hint = false} : vector<1000x32xf32>, vector<32x8xf32>, vector<1000x8xf32> -> vector<1000x8xf32>
    %swap3A_45 = arith.constant 0 : index
    %swap3A_46 = arith.constant 0 : index
    %swap3A_47 = vector.load %arg9[%swap3A_45, %swap3A_46] : memref<1000x8xf32, #tpu.memory_space<vmem>>, vector<1000x8xf32>
    tpu.vector_store %arg9[%swap3A_45, %swap3A_46], %dot_general3A_44 {strides = array<i32>} : memref<1000x8xf32, #tpu.memory_space<vmem>>, vector<1000x8xf32>,
    return
  }
  func.func @transform_0(%arg0: i32) -> (i32, i32, i32) {
    %c0_i32 = arith.constant 0 : i32
    %c0_i32_0 = arith.constant 0 : i32
    %c0_i32_1 = arith.constant 0 : i32
    return %c0_i32, %arg0, %c0_i32_0 : i32, i32, i32
  }
  func.func @transform_1(%arg0: i32) -> (i32, i32) {
    %c0_i32 = arith.constant 0 : i32
    %c0_i32_0 = arith.constant 0 : i32
    %c0_i32_1 = arith.constant 0 : i32
    return %c0_i32, %c0_i32_0 : i32, i32
  }
  func.func @transform_2(%arg0: i32) -> (i32, i32) {
    %c0_i32 = arith.constant 0 : i32
    %c0_i32_0 = arith.constant 0 : i32
    %c0_i32_1 = arith.constant 0 : i32
    return %c0_i32, %c0_i32_0 : i32, i32
  }
  func.func @transform_3(%arg0: i32) -> (i32, i32) {
    %c0_i32 = arith.constant 0 : i32
    %c0_i32_0 = arith.constant 0 : i32
    %c0_i32_1 = arith.constant 0 : i32
    return %c0_i32, %c0_i32_0 : i32, i32
  }
  func.func @transform_4(%arg0: i32) -> (i32, i32) {
    %c0_i32 = arith.constant 0 : i32
    %c0_i32_0 = arith.constant 0 : i32
    %c0_i32_1 = arith.constant 0 : i32
    return %c0_i32, %c0_i32_0 : i32, i32
  }
  func.func @transform_5(%arg0: i32) -> (i32, i32) {
    %c0_i32 = arith.constant 0 : i32
    %c0_i32_0 = arith.constant 0 : i32
    %c0_i32_1 = arith.constant 0 : i32
    return %c0_i32, %c0_i32_0 : i32, i32
  }
  func.func @transform_6(%arg0: i32) -> (i32, i32) {
    %c0_i32 = arith.constant 0 : i32
    %c0_i32_0 = arith.constant 0 : i32
    %c0_i32_1 = arith.constant 0 : i32
    return %c0_i32, %c0_i32_0 : i32, i32
  }
  func.func @transform_7(%arg0: i32) -> (i32, i32) {
    %c0_i32 = arith.constant 0 : i32
    %c0_i32_0 = arith.constant 0 : i32
    return %arg0, %c0_i32 : i32, i32
  }
  func.func @transform_8(%arg0: i32) -> (i32, i32) {
    %c0_i32 = arith.constant 0 : i32
    %c0_i32_0 = arith.constant 0 : i32
    return %arg0, %c0_i32 : i32, i32
  }
}

module attributes {stable_mosaic.version = 14 : i64} {
  func.func @_tc_c_body(%arg0: i32, %arg1: memref<2x1000x48xf32, #tpu.memory_space<vmem>>, %arg2: memref<1x32xf32, #tpu.memory_space<vmem>>, %arg3: memref<1x32xf32, #tpu.memory_space<vmem>>, %arg4: memref<1x32xf32, #tpu.memory_space<vmem>>, %arg5: memref<32x32xf32, #tpu.memory_space<vmem>>, %arg6: memref<1x32xf32, #tpu.memory_space<vmem>>, %arg7: memref<32x40xf32, #tpu.memory_space<vmem>>, %arg8: memref<1x40xf32, #tpu.memory_space<vmem>>, %arg9: memref<1000x40xf32, #tpu.memory_space<vmem>>) attributes {dimension_semantics = [#tpu.dimension_semantics<arbitrary>], iteration_bounds = array<i64: 10>, scalar_prefetch = 0 : i64, scratch_operands = 0 : i64, tpu.core_type = #tpu.core_type<tc>, window_params = [{transform_indices = @transform_0, window_bounds = array<i64: 2, 1000, 48>}, {pipeline_mode = #tpu.pipeline_mode<synchronous>, transform_indices = @transform_1, window_bounds = array<i64: 1, 32>}, {pipeline_mode = #tpu.pipeline_mode<synchronous>, transform_indices = @transform_2, window_bounds = array<i64: 1, 32>}, {pipeline_mode = #tpu.pipeline_mode<synchronous>, transform_indices = @transform_3, window_bounds = array<i64: 1, 32>}, {pipeline_mode = #tpu.pipeline_mode<synchronous>, transform_indices = @transform_4, window_bounds = array<i64: 32, 32>}, {pipeline_mode = #tpu.pipeline_mode<synchronous>, transform_indices = @transform_5, window_bounds = array<i64: 1, 32>}, {pipeline_mode = #tpu.pipeline_mode<synchronous>, transform_indices = @transform_6, window_bounds = array<i64: 32, 40>}, {pipeline_mode = #tpu.pipeline_mode<synchronous>, transform_indices = @transform_7, window_bounds = array<i64: 1, 40>}, {transform_indices = @transform_8, window_bounds = array<i64: 1000, 40>}]} {
    %get3A = arith.constant 0 : index
    %get3A_0 = arith.constant 0 : index
    %get3A_1 = arith.constant 0 : index
    %get3A_2 = vector.load %arg1[%get3A, %get3A_0, %get3A_1] : memref<2x1000x48xf32, #tpu.memory_space<vmem>>, vector<1x1000x48xf32>
    %get3A_3 = vector.shape_cast %get3A_2 : vector<1x1000x48xf32> to vector<1000x48xf32>
    %get3A_4 = arith.constant 1 : index
    %get3A_5 = arith.constant 0 : index
    %get3A_6 = arith.constant 0 : index
    %get3A_7 = vector.load %arg1[%get3A_4, %get3A_5, %get3A_6] : memref<2x1000x48xf32, #tpu.memory_space<vmem>>, vector<1x1000x48xf32>
    %get3A_8 = vector.shape_cast %get3A_7 : vector<1x1000x48xf32> to vector<1000x48xf32>
    %add3A = arith.addf %get3A_3, %get3A_8 : vector<1000x48xf32>
    %slice3A = vector.extract_strided_slice %add3A {offsets = [0, 0], sizes = [1000, 32], strides = [1, 1]} : vector<1000x48xf32> to vector<1000x32xf32>
    %slice3A_9 = vector.extract_strided_slice %add3A {offsets = [0, 32], sizes = [1000, 1], strides = [1, 1]} : vector<1000x48xf32> to vector<1000x1xf32>
    %add3A_10 = arith.constant 1.000000e-16 : f32
    %add3A_11 = vector.broadcast %add3A_10 : f32 to vector<1000x1xf32>
    %add3A_12 = arith.addf %slice3A_9, %add3A_11 : vector<1000x1xf32>
    %div3A = vector.broadcast %add3A_12 : vector<1000x1xf32> to vector<1000x32xf32>
    %div3A_13 = arith.divf %slice3A, %div3A : vector<1000x32xf32>
    %get3A_14 = arith.constant 0 : index
    %get3A_15 = arith.constant 0 : index
    %get3A_16 = vector.load %arg2[%get3A_14, %get3A_15] : memref<1x32xf32, #tpu.memory_space<vmem>>, vector<1x32xf32>
    %add3A_17 = vector.broadcast %get3A_16 : vector<1x32xf32> to vector<1000x32xf32>
    %add3A_18 = arith.addf %div3A_13, %add3A_17 : vector<1000x32xf32>
    %max3A = arith.constant 0.000000e+00 : f32
    %max3A_19 = vector.broadcast %max3A : f32 to vector<1000x32xf32>
    %max3A_20 = arith.maximumf %add3A_18, %max3A_19 : vector<1000x32xf32>
    %get3A_21 = arith.constant 0 : index
    %get3A_22 = arith.constant 0 : index
    %get3A_23 = vector.load %arg3[%get3A_21, %get3A_22] : memref<1x32xf32, #tpu.memory_space<vmem>>, vector<1x32xf32>
    %mul3A = vector.broadcast %get3A_23 : vector<1x32xf32> to vector<1000x32xf32>
    %mul3A_24 = arith.mulf %max3A_20, %mul3A : vector<1000x32xf32>
    %get3A_25 = arith.constant 0 : index
    %get3A_26 = arith.constant 0 : index
    %get3A_27 = vector.load %arg4[%get3A_25, %get3A_26] : memref<1x32xf32, #tpu.memory_space<vmem>>, vector<1x32xf32>
    %add3A_28 = vector.broadcast %get3A_27 : vector<1x32xf32> to vector<1000x32xf32>
    %add3A_29 = arith.addf %mul3A_24, %add3A_28 : vector<1000x32xf32>
    %get3A_30 = arith.constant 0 : index
    %get3A_31 = arith.constant 0 : index
    %get3A_32 = vector.load %arg5[%get3A_30, %get3A_31] : memref<32x32xf32, #tpu.memory_space<vmem>>, vector<32x32xf32>
    %dot_general3A = arith.constant dense<0.000000e+00> : vector<1000x32xf32>
    %dot_general3A_33 = tpu.matmul %add3A_29, %get3A_32, %dot_general3A {dimension_numbers = #tpu.dot_dimension_numbers<[1], [0], [0], [1], [0, 0, 1, 1], [], []>, transpose_lhs_hint = false} : vector<1000x32xf32>, vector<32x32xf32>, vector<1000x32xf32> -> vector<1000x32xf32>
    %get3A_34 = arith.constant 0 : index
    %get3A_35 = arith.constant 0 : index
    %get3A_36 = vector.load %arg6[%get3A_34, %get3A_35] : memref<1x32xf32, #tpu.memory_space<vmem>>, vector<1x32xf32>
    %add3A_37 = vector.broadcast %get3A_36 : vector<1x32xf32> to vector<1000x32xf32>
    %add3A_38 = arith.addf %dot_general3A_33, %add3A_37 : vector<1000x32xf32>
    %max3A_39 = arith.constant 0.000000e+00 : f32
    %max3A_40 = vector.broadcast %max3A_39 : f32 to vector<1000x32xf32>
    %max3A_41 = arith.maximumf %add3A_38, %max3A_40 : vector<1000x32xf32>
    %get3A_42 = arith.constant 0 : index
    %get3A_43 = arith.constant 0 : index
    %get3A_44 = vector.load %arg7[%get3A_42, %get3A_43] : memref<32x40xf32, #tpu.memory_space<vmem>>, vector<32x40xf32>
    %dot_general3A_45 = arith.constant dense<0.000000e+00> : vector<1000x40xf32>
    %dot_general3A_46 = tpu.matmul %max3A_41, %get3A_44, %dot_general3A_45 {dimension_numbers = #tpu.dot_dimension_numbers<[1], [0], [0], [1], [0, 0, 1, 1], [], []>, transpose_lhs_hint = false} : vector<1000x32xf32>, vector<32x40xf32>, vector<1000x40xf32> -> vector<1000x40xf32>
    %get3A_47 = arith.constant 0 : index
    %get3A_48 = arith.constant 0 : index
    %get3A_49 = vector.load %arg8[%get3A_47, %get3A_48] : memref<1x40xf32, #tpu.memory_space<vmem>>, vector<1x40xf32>
    %add3A_50 = vector.broadcast %get3A_49 : vector<1x40xf32> to vector<1000x40xf32>
    %add3A_51 = arith.addf %dot_general3A_46, %add3A_50 : vector<1000x40xf32>
    %reduce_max3A = arith.constant dense<0xFF800000> : vector<1000xf32>
    %reduce_max3A_52 = vector.multi_reduction <maximumf>, %add3A_51, %reduce_max3A [1] : vector<1000x40xf32> to vector<1000xf32>
    %broadcast_in_dim3A = vector.shape_cast %reduce_max3A_52 : vector<1000xf32> to vector<1000x1xf32>
    %sub3A = vector.broadcast %broadcast_in_dim3A : vector<1000x1xf32> to vector<1000x40xf32>
    %sub3A_53 = arith.subf %add3A_51, %sub3A : vector<1000x40xf32>
    %exp3A = math.exp %sub3A_53 : vector<1000x40xf32>
    %reduce_sum3A = arith.constant dense<0.000000e+00> : vector<1000xf32>
    %reduce_sum3A_54 = vector.multi_reduction <add>, %exp3A, %reduce_sum3A [1] : vector<1000x40xf32> to vector<1000xf32>
    %broadcast_in_dim3A_55 = vector.shape_cast %reduce_sum3A_54 : vector<1000xf32> to vector<1000x1xf32>
    %log3A = math.log %broadcast_in_dim3A_55 : vector<1000x1xf32>
    %add3A_56 = arith.addf %log3A, %broadcast_in_dim3A : vector<1000x1xf32>
    %sub3A_57 = vector.broadcast %add3A_56 : vector<1000x1xf32> to vector<1000x40xf32>
    %sub3A_58 = arith.subf %add3A_51, %sub3A_57 : vector<1000x40xf32>
    %swap3A = arith.constant 0 : index
    %swap3A_59 = arith.constant 0 : index
    %swap3A_60 = vector.load %arg9[%swap3A, %swap3A_59] : memref<1000x40xf32, #tpu.memory_space<vmem>>, vector<1000x40xf32>
    tpu.vector_store %arg9[%swap3A, %swap3A_59], %sub3A_58 {strides = array<i32>} : memref<1000x40xf32, #tpu.memory_space<vmem>>, vector<1000x40xf32>,
    return
  }
  func.func @transform_0(%arg0: i32) -> (i32, i32, i32) {
    %c0_i32 = arith.constant 0 : i32
    %c0_i32_0 = arith.constant 0 : i32
    %c0_i32_1 = arith.constant 0 : i32
    return %c0_i32, %arg0, %c0_i32_0 : i32, i32, i32
  }
  func.func @transform_1(%arg0: i32) -> (i32, i32) {
    %c0_i32 = arith.constant 0 : i32
    %c0_i32_0 = arith.constant 0 : i32
    %c0_i32_1 = arith.constant 0 : i32
    return %c0_i32, %c0_i32_0 : i32, i32
  }
  func.func @transform_2(%arg0: i32) -> (i32, i32) {
    %c0_i32 = arith.constant 0 : i32
    %c0_i32_0 = arith.constant 0 : i32
    %c0_i32_1 = arith.constant 0 : i32
    return %c0_i32, %c0_i32_0 : i32, i32
  }
  func.func @transform_3(%arg0: i32) -> (i32, i32) {
    %c0_i32 = arith.constant 0 : i32
    %c0_i32_0 = arith.constant 0 : i32
    %c0_i32_1 = arith.constant 0 : i32
    return %c0_i32, %c0_i32_0 : i32, i32
  }
  func.func @transform_4(%arg0: i32) -> (i32, i32) {
    %c0_i32 = arith.constant 0 : i32
    %c0_i32_0 = arith.constant 0 : i32
    %c0_i32_1 = arith.constant 0 : i32
    return %c0_i32, %c0_i32_0 : i32, i32
  }
  func.func @transform_5(%arg0: i32) -> (i32, i32) {
    %c0_i32 = arith.constant 0 : i32
    %c0_i32_0 = arith.constant 0 : i32
    %c0_i32_1 = arith.constant 0 : i32
    return %c0_i32, %c0_i32_0 : i32, i32
  }
  func.func @transform_6(%arg0: i32) -> (i32, i32) {
    %c0_i32 = arith.constant 0 : i32
    %c0_i32_0 = arith.constant 0 : i32
    %c0_i32_1 = arith.constant 0 : i32
    return %c0_i32, %c0_i32_0 : i32, i32
  }
  func.func @transform_7(%arg0: i32) -> (i32, i32) {
    %c0_i32 = arith.constant 0 : i32
    %c0_i32_0 = arith.constant 0 : i32
    %c0_i32_1 = arith.constant 0 : i32
    return %c0_i32, %c0_i32_0 : i32, i32
  }
  func.func @transform_8(%arg0: i32) -> (i32, i32) {
    %c0_i32 = arith.constant 0 : i32
    %c0_i32_0 = arith.constant 0 : i32
    return %arg0, %c0_i32 : i32, i32
  }
}

</mosaic_0001>

<sc_bundles>
// kernel: kernel.10.cloned.1.call-start
scs
__scs_entry_jumppad:
0x0: {  	(pc) =	sbr.rel $0x88, $3  }
0x1: {  	(tag) =	ssettag $0x0;
	lr =	simm.s32 $0x1  }
0x2: {  	[smem:$0x3F8B] =	sst lr;
	_ =	strace $0xD0000000  }
0x3: {  	_ = 	snop  }
0x4: {  	_ = 	snop  }
0x5: {  	_ = 	snop  }
0x6: {  	_ = 	snop  }
0x7: {  	_ = 	snop  }
__scs_overlays_trampoline_lowered:
0x8: {  	[smem:$0x3F9A] =	sst s0  }
0x9: {  	[smem:$0x3F9B] =	sst s1  }
0xa: {  	[smem:$0x3F9C] =	sst s2  }
0xb: {  	[smem:$0x3F9D] =	sst s3  }
0xc: {  	[smem:$0x3F9E] =	sst s4  }
0xd: {  	[smem:$0x3F9F] =	sst s5  }
0xe: {  	[smem:$0x3FA0] =	sst s6  }
0xf: {  	[smem:$0x3FA1] =	sst s7  }
0x10: {  	[smem:$0x3FA2] =	sst s8  }
0x11: {  	[smem:$0x3FA3] =	sst s9;
	s0 =	simm.s32 @!p0 $0x0  }
0x12: {  	s1 =	sld [smem:$0x3F89];
	s0 =	simm.s32 @p0 $0x1  }
0x13: {  	[smem:$0x3FA4] =	sst s0;
	s0 =	simm.s32 @!p1 $0x0  }
0x14: {  	s2 =	sld [smem:$0x3F88];
	s0 =	simm.s32 @p1 $0x1  }
0x15: {  	[smem:$0x3FA5] =	sst s0;
	s0 =	simm.s32 @!p2 $0x0  }
0x16: {  	s3 =	sld [smem:$0x3FDB];
	s0 =	simm.s32 @p2 $0x1  }
0x17: {  	s4 =	simm.s32 $0x1BF5;
	[smem:$0x3FA7] =	sst s0  }
0x18: {  	s0 =	sld [smem:$0x3F8A];
	_ =	swait.ge [sflag:s4], $0x0  }
0x19: {  	s7 =	sld [smem:$0x3F8B]  }
0x1a: {  	s8 =	sadd.s32 $0xFFFFE003, lr  }
0x1b: {  	s9 =	sadd.s32 $0xFFFFFEF7, lr;
	s5 =	simm.s32 $0xFFFFFFFF;
	p2 =	slt.u32 s8, $0xFFFFF086  }
0x1c: {  	p1 =	slt.u32 s9, $0xF7A;
	s5 =	simm.s32 @!p2 $0x0  }
0x1d: {  	s5 =	simm.s32 @p1 $0x1;
	p0 =	seq.s32 s7, s2  }
0x1e: {  	s7 =	smul.u32 @!p0 $0xF7A, s2;
	p2 =	seq.s32 @!p0 s5, $0x0  }
0x1f: {  	s9 =	smul.u32 $0xF7A, s1;
	s8 =	simm.s32 @!p0 $0x1BF5;
	p2 =	por !p2, p0  }
0x20: {  	[sflag:s8] =	ssyncset.s32 @!p0 $0xFFFFF086;
	s6 =	sadd.s32 @!p0 s3, s7;
	s7 =	simm.s32 @!p0 $0x108  }
0x21: {  	s3 =	sadd.s32 s3, s9;
	s6 =	sadd.s32 @!p0 $0x88, s6;
	s7 =	simm.s32 @p2 $0x1082  }
0x22: {  	[simem:s7], [sflag:s8] =	dma.local @!p0 [hbm:s6], $0xF7A  }
0x23: {  	s9 =	sor.u32 $0xD0000000, s2;
	s6 =	simm.s32 $0x108;
	_ =	swait.ge @!p0 [sflag:s8], $0x0  }
0x24: {  	s3 =	sadd.s32 $0x88, s3;
	s6 =	simm.s32 @!p1 $0x1082;
	[sflag:s4] =	ssyncset.s32 $0xFFFFF086  }
0x25: {  	[simem:s6], [sflag:s4] =	dma.local [hbm:s3], $0xF7A  }
0x26: {  	[smem:$0x3F8B] =	sst s1;
	(tag) =	ssettag s2;
	_ =	strace s9  }
0x27: {  	s1 =	sld [smem:$0x3F9B]  }
0x28: {  	s2 =	sld [smem:$0x3F9C]  }
0x29: {  	s4 =	sld [smem:$0x3F9E]  }
0x2a: {  	p0 =	seq.s32 s5, $0x0;
	s5 =	sld [smem:$0x3F9F]  }
0x2b: {  	s6 =	sld [smem:$0x3FA0]  }
0x2c: {  	s7 =	sld [smem:$0x3FA1]  }
0x2d: {  	s3 =	simm.s32 $0x108;
	s8 =	sld [smem:$0x3FA2]  }
0x2e: {  	s3 =	simm.s32 @!p0 $0x1082;
	s9 =	sld [smem:$0x3FA3]  }
0x2f: {  	lr =	sadd.s32 s0, s3;
	s0 =	sld [smem:$0x3F9A]  }
0x30: {  	s3 =	sld [smem:$0x3F9D]  }
0x31: {  	[smem:$0x3FA6] =	sst s10  }
0x32: {  	s10 =	sld [smem:$0x3FA4];
	_ =	sdelay $0x3  }
0x33: {  	p0 =	seq.s32 s10, $0x1;
	s10 =	sld [smem:$0x3FA6];
	_ =	sdelay $0x3  }
0x34: {  	[smem:$0x3FA6] =	sst s10  }
0x35: {  	s10 =	sld [smem:$0x3FA5];
	_ =	sdelay $0x3  }
0x36: {  	p1 =	seq.s32 s10, $0x1;
	s10 =	sld [smem:$0x3FA6];
	_ =	sdelay $0x3  }
0x37: {  	[smem:$0x3FA6] =	sst s10  }
0x38: {  	s10 =	sld [smem:$0x3FA7]  }
0x39: {  	_ = 	snop;
	(pc) =	sbr.ind lr, $3  }
0x3a: {  	_ = 	snop  }
0x3b: {  	_ = 	snop  }
0x3c: {  	p2 =	seq.s32 s10, $0x1;
	s10 =	sld [smem:$0x3FA6]  }
0x3d: {  	_ =	shalt  }
0x3e: {  	_ =	shalt  }
0x3f: {  	_ =	shalt  }
0x40: {  	_ =	shalt  }
0x41: {  	_ =	shalt  }
0x42: {  	_ =	shalt  }
0x43: {  	_ =	shalt  }
0x44: {  	_ =	shalt  }
0x45: {  	_ =	shalt  }
0x46: {  	_ =	shalt  }
0x47: {  	_ =	shalt  }
0x48: {  	_ =	shalt  }
0x49: {  	_ =	shalt  }
0x4a: {  	_ =	shalt  }
0x4b: {  	_ =	shalt  }
0x4c: {  	_ =	shalt  }
0x4d: {  	_ =	shalt  }
0x4e: {  	_ =	shalt  }
0x4f: {  	_ =	shalt  }
0x50: {  	_ =	shalt  }
0x51: {  	_ =	shalt  }
0x52: {  	_ =	shalt  }
0x53: {  	_ =	shalt  }
0x54: {  	_ =	shalt  }
0x55: {  	_ =	shalt  }
0x56: {  	_ =	shalt  }
0x57: {  	_ =	shalt  }
0x58: {  	_ =	shalt  }
0x59: {  	_ =	shalt  }
0x5a: {  	_ =	shalt  }
0x5b: {  	_ =	shalt  }
0x5c: {  	_ =	shalt  }
0x5d: {  	_ =	shalt  }
0x5e: {  	_ =	shalt  }
0x5f: {  	_ =	shalt  }
0x60: {  	_ =	shalt  }
0x61: {  	_ =	shalt  }
0x62: {  	_ =	shalt  }
0x63: {  	_ =	shalt  }
0x64: {  	_ =	shalt  }
0x65: {  	_ =	shalt  }
0x66: {  	_ =	shalt  }
0x67: {  	_ =	shalt  }
0x68: {  	_ =	shalt  }
0x69: {  	_ =	shalt  }
0x6a: {  	_ =	shalt  }
0x6b: {  	_ =	shalt  }
0x6c: {  	_ =	shalt  }
0x6d: {  	_ =	shalt  }
0x6e: {  	_ =	shalt  }
0x6f: {  	_ =	shalt  }
0x70: {  	_ =	shalt  }
0x71: {  	_ =	shalt  }
0x72: {  	_ =	shalt  }
0x73: {  	_ =	shalt  }
0x74: {  	_ =	shalt  }
0x75: {  	_ =	shalt  }
0x76: {  	_ =	shalt  }
0x77: {  	_ =	shalt  }
0x78: {  	_ =	shalt  }
0x79: {  	_ =	shalt  }
0x7a: {  	_ =	shalt  }
0x7b: {  	_ =	shalt  }
0x7c: {  	_ =	shalt  }
0x7d: {  	_ =	shalt  }
0x7e: {  	_ =	shalt  }
0x7f: {  	_ =	shalt  }
0x80: {  	_ =	shalt  }
0x81: {  	_ =	shalt  }
0x82: {  	_ =	shalt  }
0x83: {  	_ =	shalt  }
0x84: {  	_ =	shalt  }
0x85: {  	_ =	shalt  }
0x86: {  	_ =	shalt  }
0x87: {  	_ =	shalt  }
.Lfunc_end0:
.L_simem_size_0:
called_computation.1_lowered:
.L_overlay_start_0:
0x88: {  	s2 =	sld [smem:$0x3FD9]  }
0x89: {  	s3 =	sld [smem:$0x3FFE];
	_ =	sdelay $0x1  }
0x8a: {  	s1 =	srdreg.scid  }
0x8b: {  	s0 =	sand.u32 $0x1, s1  }
0x8c: {  	s17 =	sshll.u32 s0, $0xA;
	s2 =	sadd.s32 s3, s2  }
0x8d: {  	s2 =	sadd.s32 s2, s17  }
0x8e: {  	[smem:$0x3FB2] =	sst s2  }
0x8f: {  	_ = 	snop  }
0x90: {  	s2 =	sld [smem:$0x3FD0];
	(tm) =	ssettm $0x1  }
0x91: {  	s18 =	sld [smem:$0x3FFB];
	_ =	sdelay $0x3  }
0x92: {  	_ =	strace s18  }
0x93: {  	s3 =	sld [smem:$0x3FFC];
	_ =	sdelay $0x3  }
0x94: {  	_ =	strace s3  }
0x95: {  	s3 =	sld [smem:$0x3FFD];
	_ =	sdelay $0x3  }
0x96: {  	_ =	strace s3  }
0x97: {  	_ =	strace $0x8FFFFFFF  }
0x98: {  	s19 =	sld [smem:$0x3FDB];
	_ =	sdelay $0x1  }
0x99: {  	s4 =	simm.s32 $_scs_section_size  }
0x9a: {  	s5 =	simm.s32 $_size__tile_overlayer_lowered;
	s6 =	simm.s32 $_tile_overlayer_lowered  }
0x9b: {  	s22 =	simm.s32 $0x1BFF;
	s21 =	sshll.u32 s6, $0x1;
	s3 =	sadd.s32 s4, s19  }
0x9c: {  	s7 =	simm.s32 $0x0;
	s20 =	sshll.u32 s5, $0x1;
	s5 =	sadd.s32 s21, s3  }
0x9d: {  	[timem:s7], [sflag:s22] =	dma.local [hbm:s5], s20  }
0x9e: {  	_ =	swait.ge [sflag:s22], s20  }
0x9f: {  	s4 =	ssub.s32 $0x0, s20;
	[sflag:s22] =	ssyncset.done $0x0  }
0xa0: {  	[sflag:s22] =	ssyncadd.s32 s4;
	_ =	sdelay $0x1  }
0xa1: {  	s23 =	simm.s32 $0x1B8B  }
0xa2: {  	_ =	swait.ge [sflag:s23], $0x1  }
0xa3: {  	[sflag:s23] =	ssyncset.done $0x0  }
0xa4: {  	s25 =	simm.s32 $0x1B8E;
	s24 =	sld [smem:$0x3FFE];
	[sflag:s23] =	ssyncadd.s32 $0xFFFFFFFF  }
0xa5: {  	s26 =	simm.s32 $execute0_lowered;
	[smem:$0x3FD2] =	sst s25  }
0xa6: {  	s5 =	sshll.u32 s26, $0x1;
	_ =	strace $0x80000049;
	[dreg:$0x1] =	wrdreg $0xFFFFFFFF  }
0xa7: {  	s28 =	simm.s32 $_size_execute0_lowered;
	s3 =	sadd.s32 s3, s5;
	[dreg:$0x0] =	wrdreg $0x0  }
0xa8: {  	s5 =	sshll.u32 s28, $0x1;
	[dreg:$0x2] =	wrdreg s3  }
0xa9: {  	[dreg:$0x3] =	wrdreg s5  }
0xaa: {  	[dreg:$0x4] =	wrdreg $0xC0  }
0xab: {  	_ =	task [dreg:s7], $0x5FFFF  }
0xac: {  	[dreg:$0x1] =	wrdreg $0xFFFFFFFF  }
0xad: {  	[dreg:$0x0] =	wrdreg $0x60  }
0xae: {  	[dreg:$0x2] =	wrdreg s24  }
0xaf: {  	[dreg:$0x3] =	wrdreg s2  }
0xb0: {  	[dreg:$0x4] =	wrdreg $0x152700  }
0xb1: {  	[dreg:$0x5] =	wrdreg $0x9  }
0xb2: {  	_ =	task.clear_ibuf [dreg:s7], $0x6FFFF;
	_ =	strace $0x90000049  }
0xb3: {  	s29 =	simm.s32 $0x9;
	_ =	strace $0x8000004B  }
0xb4: {  	_ =	swait.ge [sflag:s29], $0x1  }
0xb5: {  	[sflag:s29] =	ssyncadd.s32 $0xFFFFFFFF  }
0xb6: {  	_ =	strace $0x9000004B  }
0xb7: {  	_ =	sfence  }
0xb8: {  	s30 =	sld [smem:$0x0];
	_ =	sdelay $0x2  }
0xb9: {  	s31 =	sshll.u32 s1, $0xD;
	s1 =	sshrl.u32 s1, $0x2  }
0xba: {  	s3 =	sand.u32 $0x4000, s31;
	s1 =	sadd.s32 s1, s30  }
0xbb: {  	s0 =	sor.u32 s3, s0;
	s1 =	sshll.u32 s1, $0x11  }
0xbc: {  	s0 =	sor.u32 s1, s0  }
0xbd: {  	s0 =	sadd.s32 $0x8F2B, s0  }
0xbe: {  	[sflag:s0] =	ssyncadd.remote.s32 $0x1  }
0xbf: {  	_ =	sfence.sel $0xFFFF  }
0xc0: {  	[dreg:$0x0] =	wrdreg $0xFFFFFFFF;
	(pc) =	sbr.abs _section_cstart, $3  }
0xc1: {  	[dreg:$0x1] =	wrdreg $0xFFFFFFFF  }
0xc2: {  	_ =	task.clear_ibuf [dreg:s7], $0x2FFFF;
	_ =	strace $0x9FFFFFFF  }
0xc3: {  	(tm) =	ssettm $0x7FFFFFFF  }
tec
execute0_lowered:
.L_overlay_start_1:
0x0: {  	(tag) =	ssettag $0x1  }
0x1: {  	s9 =	rddreg [dreg:$0x0]  }
0x2: {  	s2 =	rddreg [dreg:$0x1]  }
0x3: {  	s3 =	rddreg [dreg:$0x2]  }
0x4: {  	s0 =	rddreg [dreg:$0x3];
	s5 =	srdreg.scid  }
0x5: {  	s1 =	stileid.u32;
	s4 =	simm.s32 $0x0;
	s15 =	simm.s32 $0xA0  }
0x6: {  	s16 =	simm.s32 $0x50;
	s17 =	simm.s32 $0x13970;
	s18 =	simm.s32 $0x1  }
0x7: {  	s19 =	simm.s32 $0x14370;
	s20 =	simm.s32 $0x0;
	s10 =	sand.u32 $0x1, s5  }
0x8: {  	s11 =	smul.u32 $0x7680, s1;
	[smem:$0x7FF] =	sst s4;
	s5 =	sadd.s32 $0x34400, s9  }
0x9: {  	s6 =	sadd.s32 $0xD000, s9;
	s7 =	sadd.s32 $0x3200, s9;
	s31 =	sshll.u32 s1, $0x6  }
0xa: {  	s8 =	smul.u32 $0x76800, s10;
	s13 =	ssub.s32 $0x2, s10;
	s29 =	sshll.u32 s10, $0x4  }
0xb: {  	_ =	strace $0x8000004A;
	s14 =	sshrl.u32 s13, $0x1;
	s10 =	sor.u32 s1, s29  }
0xc: {  	s30 =	sadd.s32 s11, s3;
	s12 =	sadd.s32 s11, s8;
	s8 =	sadd.s32 $0xF800, s9  }
0xd: {  	s13 =	ssub.s32 s13, s14;
	s10 =	smul.u32 $0x2710, s10;
	s12 =	sshrl.u32 s12, $0x3  }
0xe: {  	v0 =	vimm.f32 $0.0e+00;
	vm0 =	vcmask $0x300;
	s14 =	simm.s32 $0x2;
	s12 =	sadd.s32 s12, s9;
	s9 =	sor.u32 $0x1C02, s31  }
0xf: {  	v0 =	vsel vm0, $0x3F800000, v0;
	s11 =	sadd.s32 $0x10800, s12;
	s12 =	smax.u32 s13, $0x1;
	s13 =	sshrl.u32 s30, $0x3  }
.LBB2_1:
0x10: {  	[spmem:s13], [sflag:s9] =	dma.local [hbm:s8], $0xED0  }
0x11: {  	_ =	swait.ge [sflag:s14], $0xED0  }
0x12: {  	[sflag:s14] =	ssyncset.done $0x0  }
0x13: {  	[sflag:s14] =	ssyncadd.s32 $0xFFFFF130  }
0x14: {  	[tilespmem:s15], [sflag:$0x2] =	stream.linear.gather [hbm4b:s6+s4], $0x13880, $0x38;
	[tilespmem:$0x1C8F0] =	vst v63  }
0x15: {  	_ =	swait.ge [sflag:s14], $0x13880  }
0x16: {  	[sflag:s14] =	ssyncset.done $0x0  }
0x17: {  	[sflag:s14] =	ssyncadd.s32 $0xFFFEC780  }
0x18: {  	s21 =	simm.s32 $0x0;
	[bflag:$0x0] =	sbarrier.arrive $0xFFFF  }
.LBB2_2:
0x19: {  	s22 =	smul.u32 $0x50, s21;
	_ =	sdelay $0x1  }
0x1a: {  	s22 =	sadd.s32 s10, s22  }
0x1b: {  	s22 =	sshrl.u32 s22, $0x3  }
0x1c: {  	s24 =	simm.s32 $0x0;
	s23 =	sadd.s32 s5, s22  }
0x1d: {  	[tilespmem:s24], [sflag:$0x2] =	stream.linear.gather [hbm4b:s23+s24], $0x50, $0x38;
	[tilespmem:$0x1C8F0] =	vst v63  }
0x1e: {  	_ =	swait.ge [sflag:s14], $0x50  }
0x1f: {  	[sflag:s14] =	ssyncset.done $0x0  }
0x20: {  	s22 =	sadd.s32 s2, s22;
	[sflag:s14] =	ssyncadd.s32 $0xFFFFFFB0  }
0x21: {  	[tilespmem:s16], [sflag:$0x2] =	stream.linear.gather [hbm4b:s22+s24], $0x50, $0x38;
	[tilespmem:$0x1C8F0] =	vst v63  }
0x22: {  	_ =	swait.ge [sflag:s14], $0x50  }
0x23: {  	[sflag:s14] =	ssyncset.done $0x0  }
0x24: {  	[sflag:s14] =	ssyncadd.s32 $0xFFFFFFB0  }
0x25: {  	[tilespmem:s17], [sflag:$0x1] =	stream.indirect.gather [hbm4b:s7+s16], $0x20, s24, s16, $0xb8;
	[tilespmem:$0x1C8F0] =	vst v63  }
0x26: {  	v1 =	vld [tilespmem:$0x0]  }
0x27: {  	v2 =	vld [tilespmem:$0x50];
	_ =	sdelay $0x4  }
0x28: {  	v1 =	vshll.u32 v1, $0x3;
	v2 =	vshll.u32 v2, $0x3  }
0x29: {  	v2 =	vor.u32 $0x1, v2;
	_ =	sdelay $0x3  }
0x2a: {  	v1 =	vld.idx.msk [tilespmem:v1+s15+$0x0], $0xffff  }
0x2b: {  	v2 =	vld.idx.msk [tilespmem:v2+s15+$0x0], $0xffff;
	_ =	sdelay $0x4  }
0x2c: {  	v1 =	vadd.f32 v2, v1;
	_ =	sdelay $0x1  }
0x2d: {  	v2 =	vmul.f32 $2.000000030e-01, v1  }
0x2e: {  	vm0 =	vge.f32 v1, $0.0e+00  }
0x2f: {  	v1 =	vsel vm0, v1, v2  }
0x30: {  	v1 =	vmul.f32 $1.442695020e+00, v1;
	_ =	sdelay $0x1  }
0x31: {  	v2 =	vld [tilespmem:$0x60];
	(erf) = vpow2.f32 v1  }
0x32: {  	v1 =	vld [tilespmem:$0x10];
	_ =	sdelay $0x4  }
0x33: {  	v2 =	vshll.u32 v2, $0x3;
	v1 =	vshll.u32 v1, $0x3  }
0x34: {  	v2 =	vor.u32 $0x1, v2;
	_ =	sdelay $0x1  }
0x35: {  	v3 =	vpop (erf)  }
0x36: {  	[tilespmem:$0x13920] =	vst v3  }
0x37: {  	v1 =	vld.idx.msk [tilespmem:v1+s15+$0x0], $0xffff  }
0x38: {  	v2 =	vld.idx.msk [tilespmem:v2+s15+$0x0], $0xffff;
	_ =	sdelay $0x4  }
0x39: {  	v1 =	vadd.f32 v2, v1;
	_ =	sdelay $0x1  }
0x3a: {  	v2 =	vmul.f32 $2.000000030e-01, v1  }
0x3b: {  	vm12 =	vge.f32 v1, $0.0e+00  }
0x3c: {  	v1 =	vsel vm12, v1, v2  }
0x3d: {  	v1 =	vmul.f32 $1.442695020e+00, v1;
	_ =	sdelay $0x1  }
0x3e: {  	v2 =	vld [tilespmem:$0x70];
	(erf) = vpow2.f32 v1  }
0x3f: {  	v1 =	vld [tilespmem:$0x20];
	_ =	sdelay $0x4  }
0x40: {  	v2 =	vshll.u32 v2, $0x3;
	v1 =	vshll.u32 v1, $0x3  }
0x41: {  	v2 =	vor.u32 $0x1, v2;
	_ =	sdelay $0x1  }
0x42: {  	v3 =	vpop (erf)  }
0x43: {  	[tilespmem:$0x13930] =	vst v3  }
0x44: {  	v1 =	vld.idx.msk [tilespmem:v1+s15+$0x0], $0xffff  }
0x45: {  	v2 =	vld.idx.msk [tilespmem:v2+s15+$0x0], $0xffff;
	_ =	sdelay $0x4  }
0x46: {  	v1 =	vadd.f32 v2, v1;
	_ =	sdelay $0x1  }
0x47: {  	v2 =	vmul.f32 $2.000000030e-01, v1  }
0x48: {  	vm13 =	vge.f32 v1, $0.0e+00  }
0x49: {  	v1 =	vsel vm13, v1, v2  }
0x4a: {  	v1 =	vmul.f32 $1.442695020e+00, v1;
	_ =	sdelay $0x1  }
0x4b: {  	v2 =	vld [tilespmem:$0x80];
	(erf) = vpow2.f32 v1  }
0x4c: {  	v1 =	vld [tilespmem:$0x30];
	_ =	sdelay $0x4  }
0x4d: {  	v2 =	vshll.u32 v2, $0x3;
	v1 =	vshll.u32 v1, $0x3  }
0x4e: {  	v2 =	vor.u32 $0x1, v2;
	_ =	sdelay $0x1  }
0x4f: {  	v3 =	vpop (erf)  }
0x50: {  	[tilespmem:$0x13940] =	vst v3  }
0x51: {  	v1 =	vld.idx.msk [tilespmem:v1+s15+$0x0], $0xffff  }
0x52: {  	v2 =	vld.idx.msk [tilespmem:v2+s15+$0x0], $0xffff;
	_ =	sdelay $0x4  }
0x53: {  	v1 =	vadd.f32 v2, v1;
	_ =	sdelay $0x1  }
0x54: {  	v2 =	vmul.f32 $2.000000030e-01, v1  }
0x55: {  	vm14 =	vge.f32 v1, $0.0e+00  }
0x56: {  	v1 =	vsel vm14, v1, v2  }
0x57: {  	v1 =	vmul.f32 $1.442695020e+00, v1;
	_ =	sdelay $0x1  }
0x58: {  	v2 =	vld [tilespmem:$0x90];
	(erf) = vpow2.f32 v1  }
0x59: {  	v1 =	vld [tilespmem:$0x40];
	_ =	sdelay $0x4  }
0x5a: {  	v2 =	vshll.u32 v2, $0x3;
	v1 =	vshll.u32 v1, $0x3  }
0x5b: {  	v2 =	vor.u32 $0x1, v2;
	_ =	sdelay $0x1  }
0x5c: {  	v3 =	vpop (erf)  }
0x5d: {  	[tilespmem:$0x13950] =	vst v3  }
0x5e: {  	v1 =	vld.idx.msk [tilespmem:v1+s15+$0x0], $0xffff  }
0x5f: {  	v2 =	vld.idx.msk [tilespmem:v2+s15+$0x0], $0xffff;
	_ =	sdelay $0x4  }
0x60: {  	v1 =	vadd.f32 v2, v1;
	_ =	sdelay $0x1  }
0x61: {  	v2 =	vmul.f32 $2.000000030e-01, v1  }
0x62: {  	vm15 =	vge.f32 v1, $0.0e+00  }
0x63: {  	v1 =	vsel vm15, v1, v2  }
0x64: {  	v1 =	vmul.f32 $1.442695020e+00, v1;
	_ =	sdelay $0x1  }
0x65: {  	(erf) = vpow2.f32 v1;
	_ =	sdelay $0x8  }
0x66: {  	v1 =	vpop (erf)  }
0x67: {  	[tilespmem:$0x13960] =	vst v1  }
0x68: {  	_ =	swait.ge [sflag:s18], $0xA00  }
0x69: {  	[sflag:s18] =	ssyncset.done $0x0  }
0x6a: {  	s31 =	simm.s32 $0x0;
	[sflag:s18] =	ssyncadd.s32 $0xFFFFF600  }
0x6b: {  	v1 =	vld [tilespmem:s31+$0x13920]  }
0x6c: {  	s22 =	simm.s32 $0x13A70  }
0x6d: {  	v2 =	vld [tilespmem:s22+$0xFFFFFF00];
	_ =	sdelay $0x2  }
0x6e: {  	v3 =	vbroadcast v1, $0x0;
	_ =	sdelay $0x1  }
0x6f: {  	v2 =	vmul.f32 v3, v2  }
0x70: {  	s24 =	simm.s32 $0x144F0  }
0x71: {  	[tilespmem:s24+$0xFFFFFE80] =	vst v2  }
0x72: {  	v2 =	vld [tilespmem:s22+$0xFFFFFF10];
	_ =	sdelay $0x3  }
0x73: {  	v4 =	vmul.f32 v0, v3  }
0x74: {  	v2 =	vmul.f32 v2, v3  }
0x75: {  	[tilespmem:s24+$0xFFFFFEA0] =	vst v4  }
0x76: {  	[tilespmem:s24+$0xFFFFFE90] =	vst v2  }
0x77: {  	v2 =	vld [tilespmem:s22+$0xFFFFFF20];
	_ =	sdelay $0x2  }
0x78: {  	v3 =	vbroadcast v1, $0x1;
	_ =	sdelay $0x1  }
0x79: {  	v2 =	vmul.f32 v2, v3;
	_ =	sdelay $0x1  }
0x7a: {  	[tilespmem:s24+$0xFFFFFEB0] =	vst v2  }
0x7b: {  	v2 =	vld [tilespmem:s22+$0xFFFFFF30];
	_ =	sdelay $0x3  }
0x7c: {  	v50 =	vmul.f32 v0, v3  }
0x7d: {  	v2 =	vmul.f32 v2, v3  }
0x7e: {  	[tilespmem:s24+$0xFFFFFED0] =	vst v50  }
0x7f: {  	[tilespmem:s24+$0xFFFFFEC0] =	vst v2  }
0x80: {  	v2 =	vld [tilespmem:s22+$0xFFFFFF40];
	_ =	sdelay $0x2  }
0x81: {  	v3 =	vbroadcast v1, $0x2;
	_ =	sdelay $0x1  }
0x82: {  	v2 =	vmul.f32 v2, v3;
	_ =	sdelay $0x1  }
0x83: {  	[tilespmem:s24+$0xFFFFFEE0] =	vst v2  }
0x84: {  	v2 =	vld [tilespmem:s22+$0xFFFFFF50];
	_ =	sdelay $0x3  }
0x85: {  	v51 =	vmul.f32 v0, v3  }
0x86: {  	v2 =	vmul.f32 v2, v3  }
0x87: {  	[tilespmem:s24+$0xFFFFFF00] =	vst v51  }
0x88: {  	[tilespmem:s24+$0xFFFFFEF0] =	vst v2  }
0x89: {  	v2 =	vld [tilespmem:s22+$0xFFFFFF60];
	_ =	sdelay $0x2  }
0x8a: {  	v3 =	vbroadcast v1, $0x3;
	_ =	sdelay $0x1  }
0x8b: {  	v2 =	vmul.f32 v2, v3;
	_ =	sdelay $0x1  }
0x8c: {  	[tilespmem:s24+$0xFFFFFF10] =	vst v2  }
0x8d: {  	v2 =	vld [tilespmem:s22+$0xFFFFFF70];
	_ =	sdelay $0x3  }
0x8e: {  	v52 =	vmul.f32 v0, v3  }
0x8f: {  	v2 =	vmul.f32 v2, v3  }
0x90: {  	[tilespmem:s24+$0xFFFFFF30] =	vst v52  }
0x91: {  	[tilespmem:s24+$0xFFFFFF20] =	vst v2  }
0x92: {  	v2 =	vld [tilespmem:s22+$0xFFFFFF80];
	_ =	sdelay $0x2  }
0x93: {  	v3 =	vbroadcast v1, $0x4;
	_ =	sdelay $0x1  }
0x94: {  	v2 =	vmul.f32 v2, v3;
	_ =	sdelay $0x1  }
0x95: {  	[tilespmem:s24+$0xFFFFFF40] =	vst v2  }
0x96: {  	v2 =	vld [tilespmem:s22+$0xFFFFFF90];
	_ =	sdelay $0x3  }
0x97: {  	v53 =	vmul.f32 v0, v3  }
0x98: {  	v2 =	vmul.f32 v2, v3  }
0x99: {  	[tilespmem:s24+$0xFFFFFF60] =	vst v53  }
0x9a: {  	[tilespmem:s24+$0xFFFFFF50] =	vst v2  }
0x9b: {  	v2 =	vld [tilespmem:s22+$0xFFFFFFA0];
	_ =	sdelay $0x2  }
0x9c: {  	v3 =	vbroadcast v1, $0x5;
	_ =	sdelay $0x1  }
0x9d: {  	v2 =	vmul.f32 v2, v3;
	_ =	sdelay $0x1  }
0x9e: {  	[tilespmem:s24+$0xFFFFFF70] =	vst v2  }
0x9f: {  	v2 =	vld [tilespmem:s22+$0xFFFFFFB0];
	_ =	sdelay $0x3  }
0xa0: {  	v54 =	vmul.f32 v0, v3  }
0xa1: {  	v2 =	vmul.f32 v2, v3  }
0xa2: {  	[tilespmem:s24+$0xFFFFFF90] =	vst v54  }
0xa3: {  	[tilespmem:s24+$0xFFFFFF80] =	vst v2  }
0xa4: {  	v2 =	vld [tilespmem:s22+$0xFFFFFFC0];
	_ =	sdelay $0x2  }
0xa5: {  	v3 =	vbroadcast v1, $0x6;
	_ =	sdelay $0x1  }
0xa6: {  	v2 =	vmul.f32 v2, v3;
	_ =	sdelay $0x1  }
0xa7: {  	[tilespmem:s24+$0xFFFFFFA0] =	vst v2  }
0xa8: {  	v2 =	vld [tilespmem:s22+$0xFFFFFFD0];
	_ =	sdelay $0x3  }
0xa9: {  	v55 =	vmul.f32 v0, v3  }
0xaa: {  	v2 =	vmul.f32 v2, v3  }
0xab: {  	[tilespmem:s24+$0xFFFFFFC0] =	vst v55  }
0xac: {  	[tilespmem:s24+$0xFFFFFFB0] =	vst v2  }
0xad: {  	v2 =	vld [tilespmem:s22+$0xFFFFFFE0];
	_ =	sdelay $0x2  }
0xae: {  	v3 =	vbroadcast v1, $0x7;
	_ =	sdelay $0x1  }
0xaf: {  	v2 =	vmul.f32 v2, v3;
	_ =	sdelay $0x1  }
0xb0: {  	[tilespmem:s24+$0xFFFFFFD0] =	vst v2  }
0xb1: {  	v2 =	vld [tilespmem:s22+$0xFFFFFFF0];
	_ =	sdelay $0x3  }
0xb2: {  	v56 =	vmul.f32 v0, v3  }
0xb3: {  	v2 =	vmul.f32 v2, v3  }
0xb4: {  	[tilespmem:s24+$0xFFFFFFF0] =	vst v56  }
0xb5: {  	[tilespmem:s24+$0xFFFFFFE0] =	vst v2  }
0xb6: {  	v2 =	vld [tilespmem:s22+$0x0];
	_ =	sdelay $0x2  }
0xb7: {  	v3 =	vbroadcast v1, $0x8;
	_ =	sdelay $0x1  }
0xb8: {  	v2 =	vmul.f32 v2, v3;
	_ =	sdelay $0x1  }
0xb9: {  	[tilespmem:s24+$0x0] =	vst v2  }
0xba: {  	v2 =	vld [tilespmem:s22+$0x10];
	_ =	sdelay $0x3  }
0xbb: {  	v57 =	vmul.f32 v0, v3  }
0xbc: {  	v2 =	vmul.f32 v2, v3  }
0xbd: {  	[tilespmem:s24+$0x20] =	vst v57  }
0xbe: {  	[tilespmem:s24+$0x10] =	vst v2  }
0xbf: {  	v2 =	vld [tilespmem:s22+$0x20];
	_ =	sdelay $0x2  }
0xc0: {  	v3 =	vbroadcast v1, $0x9;
	_ =	sdelay $0x1  }
0xc1: {  	v2 =	vmul.f32 v2, v3;
	_ =	sdelay $0x1  }
0xc2: {  	[tilespmem:s24+$0x30] =	vst v2  }
0xc3: {  	v2 =	vld [tilespmem:s22+$0x30];
	_ =	sdelay $0x3  }
0xc4: {  	v58 =	vmul.f32 v0, v3  }
0xc5: {  	v2 =	vmul.f32 v2, v3  }
0xc6: {  	[tilespmem:s24+$0x50] =	vst v58  }
0xc7: {  	[tilespmem:s24+$0x40] =	vst v2  }
0xc8: {  	v2 =	vld [tilespmem:s22+$0x40];
	_ =	sdelay $0x2  }
0xc9: {  	v3 =	vbroadcast v1, $0xA;
	_ =	sdelay $0x1  }
0xca: {  	v2 =	vmul.f32 v2, v3;
	_ =	sdelay $0x1  }
0xcb: {  	[tilespmem:s24+$0x60] =	vst v2  }
0xcc: {  	v2 =	vld [tilespmem:s22+$0x50];
	_ =	sdelay $0x3  }
0xcd: {  	v59 =	vmul.f32 v0, v3  }
0xce: {  	v2 =	vmul.f32 v2, v3  }
0xcf: {  	[tilespmem:s24+$0x80] =	vst v59  }
0xd0: {  	[tilespmem:s24+$0x70] =	vst v2  }
0xd1: {  	v2 =	vld [tilespmem:s22+$0x60];
	_ =	sdelay $0x2  }
0xd2: {  	v3 =	vbroadcast v1, $0xB;
	_ =	sdelay $0x1  }
0xd3: {  	v2 =	vmul.f32 v2, v3;
	_ =	sdelay $0x1  }
0xd4: {  	[tilespmem:s24+$0x90] =	vst v2  }
0xd5: {  	v2 =	vld [tilespmem:s22+$0x70];
	_ =	sdelay $0x3  }
0xd6: {  	v60 =	vmul.f32 v0, v3  }
0xd7: {  	v2 =	vmul.f32 v2, v3  }
0xd8: {  	[tilespmem:s24+$0xB0] =	vst v60  }
0xd9: {  	[tilespmem:s24+$0xA0] =	vst v2  }
0xda: {  	v2 =	vld [tilespmem:s22+$0x80];
	_ =	sdelay $0x2  }
0xdb: {  	v3 =	vbroadcast v1, $0xC;
	_ =	sdelay $0x1  }
0xdc: {  	v2 =	vmul.f32 v2, v3;
	_ =	sdelay $0x1  }
0xdd: {  	[tilespmem:s24+$0xC0] =	vst v2  }
0xde: {  	v2 =	vld [tilespmem:s22+$0x90];
	_ =	sdelay $0x3  }
0xdf: {  	v61 =	vmul.f32 v0, v3  }
0xe0: {  	v2 =	vmul.f32 v2, v3  }
0xe1: {  	[tilespmem:s24+$0xE0] =	vst v61  }
0xe2: {  	[tilespmem:s24+$0xD0] =	vst v2  }
0xe3: {  	v2 =	vld [tilespmem:s22+$0xA0];
	_ =	sdelay $0x2  }
0xe4: {  	v3 =	vbroadcast v1, $0xD;
	_ =	sdelay $0x1  }
0xe5: {  	v2 =	vmul.f32 v2, v3;
	_ =	sdelay $0x1  }
0xe6: {  	[tilespmem:s24+$0xF0] =	vst v2  }
0xe7: {  	v2 =	vld [tilespmem:s22+$0xB0];
	_ =	sdelay $0x3  }
0xe8: {  	v62 =	vmul.f32 v0, v3  }
0xe9: {  	v2 =	vmul.f32 v2, v3  }
0xea: {  	[tilespmem:s24+$0x110] =	vst v62  }
0xeb: {  	[tilespmem:s24+$0x100] =	vst v2  }
0xec: {  	v2 =	vld [tilespmem:s22+$0xC0];
	_ =	sdelay $0x2  }
0xed: {  	v3 =	vbroadcast v1, $0xE;
	_ =	sdelay $0x1  }
0xee: {  	v2 =	vmul.f32 v2, v3;
	_ =	sdelay $0x1  }
0xef: {  	[tilespmem:s24+$0x120] =	vst v2  }
0xf0: {  	v2 =	vld [tilespmem:s22+$0xD0];
	_ =	sdelay $0x3  }
0xf1: {  	v63 =	vmul.f32 v0, v3  }
0xf2: {  	v2 =	vmul.f32 v2, v3  }
0xf3: {  	[tilespmem:s24+$0x140] =	vst v63  }
0xf4: {  	[tilespmem:s24+$0x130] =	vst v2  }
0xf5: {  	v2 =	vld [tilespmem:s22+$0xE0];
	_ =	sdelay $0x2  }
0xf6: {  	v1 =	vbroadcast v1, $0xF;
	_ =	sdelay $0x1  }
0xf7: {  	v2 =	vmul.f32 v2, v1;
	_ =	sdelay $0x1  }
0xf8: {  	[tilespmem:s24+$0x150] =	vst v2  }
0xf9: {  	v2 =	vld [tilespmem:s22+$0xF0];
	_ =	sdelay $0x2  }
0xfa: {  	v3 =	vmul.f32 v0, v1;
	_ =	sdelay $0x1  }
0xfb: {  	s25 =	simm.s32 $0x40;
	s28 =	simm.s32 $0x80;
	s23 =	simm.s32 $0x147F0;
	[tilespmem:s24+$0x170] =	vst v3;
	v1 =	vmul.f32 v2, v1  }
.LBB2_3:
0xfc: {  	s29 =	sshra.s32 s25, $0x2;
	s22 =	sadd.s32 $0x200, s22  }
0xfd: {  	[tilespmem:s24+$0x160] =	vst v1;
	s25 =	smov.u32 s28;
	s26 =	sadd.s32 $0x40, s28;
	s24 =	smov.u32 s23  }
0xfe: {  	p0 =	sne.s32 s28, $0x100;
	v1 =	vld [tilespmem:s29+$0x13920];
	_ =	sdelay $0x1  }
0xff: {  	v2 =	vld [tilespmem:s22+$0xFFFFFF00];
	_ =	sdelay $0x2  }
0x100: {  	v3 =	vbroadcast v1, $0x0;
	_ =	sdelay $0x1  }
0x101: {  	v2 =	vmul.f32 v3, v2;
	_ =	sdelay $0x1  }
0x102: {  	[tilespmem:s23+$0xFFFFFE80] =	vst v2  }
0x103: {  	v2 =	vld [tilespmem:s22+$0xFFFFFF10];
	_ =	sdelay $0x3  }
0x104: {  	v4 =	vmul.f32 v0, v3  }
0x105: {  	v2 =	vmul.f32 v2, v3  }
0x106: {  	[tilespmem:s23+$0xFFFFFEA0] =	vst v4  }
0x107: {  	[tilespmem:s23+$0xFFFFFE90] =	vst v2  }
0x108: {  	v2 =	vld [tilespmem:s22+$0xFFFFFF20];
	_ =	sdelay $0x2  }
0x109: {  	v3 =	vbroadcast v1, $0x1;
	_ =	sdelay $0x1  }
0x10a: {  	v2 =	vmul.f32 v2, v3;
	_ =	sdelay $0x1  }
0x10b: {  	[tilespmem:s23+$0xFFFFFEB0] =	vst v2  }
0x10c: {  	v2 =	vld [tilespmem:s22+$0xFFFFFF30];
	_ =	sdelay $0x3  }
0x10d: {  	v4 =	vmul.f32 v0, v3  }
0x10e: {  	v2 =	vmul.f32 v2, v3  }
0x10f: {  	[tilespmem:s23+$0xFFFFFED0] =	vst v4  }
0x110: {  	[tilespmem:s23+$0xFFFFFEC0] =	vst v2  }
0x111: {  	v2 =	vld [tilespmem:s22+$0xFFFFFF40];
	_ =	sdelay $0x2  }
0x112: {  	v3 =	vbroadcast v1, $0x2;
	_ =	sdelay $0x1  }
0x113: {  	v2 =	vmul.f32 v2, v3;
	_ =	sdelay $0x1  }
0x114: {  	[tilespmem:s23+$0xFFFFFEE0] =	vst v2  }
0x115: {  	v2 =	vld [tilespmem:s22+$0xFFFFFF50];
	_ =	sdelay $0x3  }
0x116: {  	v4 =	vmul.f32 v0, v3  }
0x117: {  	v2 =	vmul.f32 v2, v3  }
0x118: {  	[tilespmem:s23+$0xFFFFFF00] =	vst v4  }
0x119: {  	[tilespmem:s23+$0xFFFFFEF0] =	vst v2  }
0x11a: {  	v2 =	vld [tilespmem:s22+$0xFFFFFF60];
	_ =	sdelay $0x2  }
0x11b: {  	v3 =	vbroadcast v1, $0x3;
	_ =	sdelay $0x1  }
0x11c: {  	v2 =	vmul.f32 v2, v3;
	_ =	sdelay $0x1  }
0x11d: {  	[tilespmem:s23+$0xFFFFFF10] =	vst v2  }
0x11e: {  	v2 =	vld [tilespmem:s22+$0xFFFFFF70];
	_ =	sdelay $0x3  }
0x11f: {  	v4 =	vmul.f32 v0, v3  }
0x120: {  	v2 =	vmul.f32 v2, v3  }
0x121: {  	[tilespmem:s23+$0xFFFFFF30] =	vst v4  }
0x122: {  	[tilespmem:s23+$0xFFFFFF20] =	vst v2  }
0x123: {  	v2 =	vld [tilespmem:s22+$0xFFFFFF80];
	_ =	sdelay $0x2  }
0x124: {  	v3 =	vbroadcast v1, $0x4;
	_ =	sdelay $0x1  }
0x125: {  	v2 =	vmul.f32 v2, v3;
	_ =	sdelay $0x1  }
0x126: {  	[tilespmem:s23+$0xFFFFFF40] =	vst v2  }
0x127: {  	v2 =	vld [tilespmem:s22+$0xFFFFFF90];
	_ =	sdelay $0x3  }
0x128: {  	v4 =	vmul.f32 v0, v3  }
0x129: {  	v2 =	vmul.f32 v2, v3  }
0x12a: {  	[tilespmem:s23+$0xFFFFFF60] =	vst v4  }
0x12b: {  	[tilespmem:s23+$0xFFFFFF50] =	vst v2  }
0x12c: {  	v2 =	vld [tilespmem:s22+$0xFFFFFFA0];
	_ =	sdelay $0x2  }
0x12d: {  	v3 =	vbroadcast v1, $0x5;
	_ =	sdelay $0x1  }
0x12e: {  	v2 =	vmul.f32 v2, v3;
	_ =	sdelay $0x1  }
0x12f: {  	[tilespmem:s23+$0xFFFFFF70] =	vst v2  }
0x130: {  	v2 =	vld [tilespmem:s22+$0xFFFFFFB0];
	_ =	sdelay $0x3  }
0x131: {  	v4 =	vmul.f32 v0, v3  }
0x132: {  	v2 =	vmul.f32 v2, v3  }
0x133: {  	[tilespmem:s23+$0xFFFFFF90] =	vst v4  }
0x134: {  	[tilespmem:s23+$0xFFFFFF80] =	vst v2  }
0x135: {  	v2 =	vld [tilespmem:s22+$0xFFFFFFC0];
	_ =	sdelay $0x2  }
0x136: {  	v3 =	vbroadcast v1, $0x6;
	_ =	sdelay $0x1  }
0x137: {  	v2 =	vmul.f32 v2, v3;
	_ =	sdelay $0x1  }
0x138: {  	[tilespmem:s23+$0xFFFFFFA0] =	vst v2  }
0x139: {  	v2 =	vld [tilespmem:s22+$0xFFFFFFD0];
	_ =	sdelay $0x3  }
0x13a: {  	v4 =	vmul.f32 v0, v3  }
0x13b: {  	v2 =	vmul.f32 v2, v3  }
0x13c: {  	[tilespmem:s23+$0xFFFFFFC0] =	vst v4  }
0x13d: {  	[tilespmem:s23+$0xFFFFFFB0] =	vst v2  }
0x13e: {  	v2 =	vld [tilespmem:s22+$0xFFFFFFE0];
	_ =	sdelay $0x2  }
0x13f: {  	v3 =	vbroadcast v1, $0x7;
	_ =	sdelay $0x1  }
0x140: {  	v2 =	vmul.f32 v2, v3;
	_ =	sdelay $0x1  }
0x141: {  	[tilespmem:s23+$0xFFFFFFD0] =	vst v2;
	v2 =	vmul.f32 v0, v3  }
0x142: {  	v4 =	vld [tilespmem:s22+$0xFFFFFFF0]  }
0x143: {  	[tilespmem:s23+$0xFFFFFFF0] =	vst v2;
	_ =	sdelay $0x3  }
0x144: {  	v2 =	vmul.f32 v4, v3;
	_ =	sdelay $0x1  }
0x145: {  	[tilespmem:s23+$0xFFFFFFE0] =	vst v2  }
0x146: {  	v2 =	vld [tilespmem:s22+$0x0];
	_ =	sdelay $0x2  }
0x147: {  	v3 =	vbroadcast v1, $0x8;
	_ =	sdelay $0x1  }
0x148: {  	v2 =	vmul.f32 v2, v3;
	_ =	sdelay $0x1  }
0x149: {  	[tilespmem:s23+$0x0] =	vst v2;
	v2 =	vmul.f32 v0, v3  }
0x14a: {  	v4 =	vld [tilespmem:s22+$0x10]  }
0x14b: {  	[tilespmem:s23+$0x20] =	vst v2;
	_ =	sdelay $0x3  }
0x14c: {  	v2 =	vmul.f32 v4, v3;
	_ =	sdelay $0x1  }
0x14d: {  	[tilespmem:s23+$0x10] =	vst v2  }
0x14e: {  	v2 =	vld [tilespmem:s22+$0x20];
	_ =	sdelay $0x2  }
0x14f: {  	v3 =	vbroadcast v1, $0x9;
	_ =	sdelay $0x1  }
0x150: {  	v2 =	vmul.f32 v2, v3;
	_ =	sdelay $0x1  }
0x151: {  	[tilespmem:s23+$0x30] =	vst v2;
	v2 =	vmul.f32 v0, v3  }
0x152: {  	v4 =	vld [tilespmem:s22+$0x30]  }
0x153: {  	[tilespmem:s23+$0x50] =	vst v2;
	_ =	sdelay $0x3  }
0x154: {  	v2 =	vmul.f32 v4, v3;
	_ =	sdelay $0x1  }
0x155: {  	[tilespmem:s23+$0x40] =	vst v2  }
0x156: {  	v2 =	vld [tilespmem:s22+$0x40];
	_ =	sdelay $0x2  }
0x157: {  	v3 =	vbroadcast v1, $0xA;
	_ =	sdelay $0x1  }
0x158: {  	v2 =	vmul.f32 v2, v3;
	_ =	sdelay $0x1  }
0x159: {  	[tilespmem:s23+$0x60] =	vst v2;
	v2 =	vmul.f32 v0, v3  }
0x15a: {  	v4 =	vld [tilespmem:s22+$0x50]  }
0x15b: {  	[tilespmem:s23+$0x80] =	vst v2;
	_ =	sdelay $0x3  }
0x15c: {  	v2 =	vmul.f32 v4, v3;
	_ =	sdelay $0x1  }
0x15d: {  	[tilespmem:s23+$0x70] =	vst v2  }
0x15e: {  	v2 =	vld [tilespmem:s22+$0x60];
	_ =	sdelay $0x2  }
0x15f: {  	v3 =	vbroadcast v1, $0xB;
	_ =	sdelay $0x1  }
0x160: {  	v2 =	vmul.f32 v2, v3;
	_ =	sdelay $0x1  }
0x161: {  	[tilespmem:s23+$0x90] =	vst v2;
	v2 =	vmul.f32 v0, v3  }
0x162: {  	v4 =	vld [tilespmem:s22+$0x70]  }
0x163: {  	[tilespmem:s23+$0xB0] =	vst v2;
	_ =	sdelay $0x3  }
0x164: {  	v2 =	vmul.f32 v4, v3;
	_ =	sdelay $0x1  }
0x165: {  	[tilespmem:s23+$0xA0] =	vst v2  }
0x166: {  	v2 =	vld [tilespmem:s22+$0x80];
	_ =	sdelay $0x2  }
0x167: {  	v3 =	vbroadcast v1, $0xC;
	_ =	sdelay $0x1  }
0x168: {  	v2 =	vmul.f32 v2, v3;
	_ =	sdelay $0x1  }
0x169: {  	[tilespmem:s23+$0xC0] =	vst v2;
	v2 =	vmul.f32 v0, v3  }
0x16a: {  	v4 =	vld [tilespmem:s22+$0x90]  }
0x16b: {  	[tilespmem:s23+$0xE0] =	vst v2;
	_ =	sdelay $0x3  }
0x16c: {  	v2 =	vmul.f32 v4, v3;
	_ =	sdelay $0x1  }
0x16d: {  	[tilespmem:s23+$0xD0] =	vst v2  }
0x16e: {  	v2 =	vld [tilespmem:s22+$0xA0];
	_ =	sdelay $0x2  }
0x16f: {  	v3 =	vbroadcast v1, $0xD;
	_ =	sdelay $0x1  }
0x170: {  	v2 =	vmul.f32 v2, v3;
	_ =	sdelay $0x1  }
0x171: {  	[tilespmem:s23+$0xF0] =	vst v2;
	v2 =	vmul.f32 v0, v3  }
0x172: {  	v4 =	vld [tilespmem:s22+$0xB0]  }
0x173: {  	[tilespmem:s23+$0x110] =	vst v2;
	_ =	sdelay $0x3  }
0x174: {  	v2 =	vmul.f32 v4, v3;
	_ =	sdelay $0x1  }
0x175: {  	[tilespmem:s23+$0x100] =	vst v2  }
0x176: {  	v2 =	vld [tilespmem:s22+$0xC0];
	_ =	sdelay $0x2  }
0x177: {  	v3 =	vbroadcast v1, $0xE;
	_ =	sdelay $0x1  }
0x178: {  	v2 =	vmul.f32 v2, v3;
	_ =	sdelay $0x1  }
0x179: {  	[tilespmem:s23+$0x120] =	vst v2;
	v2 =	vmul.f32 v0, v3  }
0x17a: {  	v4 =	vld [tilespmem:s22+$0xD0]  }
0x17b: {  	[tilespmem:s23+$0x140] =	vst v2;
	_ =	sdelay $0x3  }
0x17c: {  	v2 =	vmul.f32 v4, v3;
	_ =	sdelay $0x1  }
0x17d: {  	[tilespmem:s23+$0x130] =	vst v2  }
0x17e: {  	v2 =	vld [tilespmem:s22+$0xE0];
	_ =	sdelay $0x2  }
0x17f: {  	v1 =	vbroadcast v1, $0xF;
	_ =	sdelay $0x1  }
0x180: {  	v2 =	vmul.f32 v2, v1;
	_ =	sdelay $0x1  }
0x181: {  	[tilespmem:s23+$0x150] =	vst v2;
	v2 =	vmul.f32 v0, v1  }
0x182: {  	v3 =	vld [tilespmem:s22+$0xF0]  }
0x183: {  	[tilespmem:s23+$0x170] =	vst v2  }
.Ltmp0:
0x184: {  	(pc) =	sbr.rel @p0 .LBB2_3-.Ltmp0, $3  }
0x185: {  	_ =	sdelay $0x1  }
0x186: {  	v1 =	vmul.f32 v3, v1  }
0x187: {  	s28 =	smov.u32 s26;
	s23 =	sadd.s32 $0x300, s23  }
0x188: {  	s25 =	sshra.s32 s25, $0x2;
	[tilespmem:s24+$0x160] =	vst v1  }
0x189: {  	v1 =	vld [tilespmem:s25+$0x13920]  }
0x18a: {  	s22 =	sadd.s32 $0x200, s22  }
0x18b: {  	v2 =	vld [tilespmem:s22+$0xFFFFFF00];
	_ =	sdelay $0x2  }
0x18c: {  	v3 =	vbroadcast v1, $0x0;
	_ =	sdelay $0x1  }
0x18d: {  	v2 =	vmul.f32 v3, v2;
	_ =	sdelay $0x1  }
0x18e: {  	[tilespmem:s23+$0xFFFFFE80] =	vst v2  }
0x18f: {  	v2 =	vld [tilespmem:s22+$0xFFFFFF10];
	_ =	sdelay $0x3  }
0x190: {  	v4 =	vmul.f32 v0, v3  }
0x191: {  	v2 =	vmul.f32 v2, v3  }
0x192: {  	[tilespmem:s23+$0xFFFFFEA0] =	vst v4  }
0x193: {  	[tilespmem:s23+$0xFFFFFE90] =	vst v2  }
0x194: {  	v2 =	vld [tilespmem:s22+$0xFFFFFF20];
	_ =	sdelay $0x2  }
0x195: {  	v3 =	vbroadcast v1, $0x1;
	_ =	sdelay $0x1  }
0x196: {  	v2 =	vmul.f32 v2, v3;
	_ =	sdelay $0x1  }
0x197: {  	[tilespmem:s23+$0xFFFFFEB0] =	vst v2  }
0x198: {  	v2 =	vld [tilespmem:s22+$0xFFFFFF30];
	_ =	sdelay $0x3  }
0x199: {  	v50 =	vmul.f32 v0, v3  }
0x19a: {  	v2 =	vmul.f32 v2, v3  }
0x19b: {  	[tilespmem:s23+$0xFFFFFED0] =	vst v50  }
0x19c: {  	[tilespmem:s23+$0xFFFFFEC0] =	vst v2  }
0x19d: {  	v2 =	vld [tilespmem:s22+$0xFFFFFF40];
	_ =	sdelay $0x2  }
0x19e: {  	v3 =	vbroadcast v1, $0x2;
	_ =	sdelay $0x1  }
0x19f: {  	v2 =	vmul.f32 v2, v3;
	_ =	sdelay $0x1  }
0x1a0: {  	[tilespmem:s23+$0xFFFFFEE0] =	vst v2  }
0x1a1: {  	v2 =	vld [tilespmem:s22+$0xFFFFFF50];
	_ =	sdelay $0x3  }
0x1a2: {  	v51 =	vmul.f32 v0, v3  }
0x1a3: {  	v2 =	vmul.f32 v2, v3  }
0x1a4: {  	[tilespmem:s23+$0xFFFFFF00] =	vst v51  }
0x1a5: {  	[tilespmem:s23+$0xFFFFFEF0] =	vst v2  }
0x1a6: {  	v2 =	vld [tilespmem:s22+$0xFFFFFF60];
	_ =	sdelay $0x2  }
0x1a7: {  	v3 =	vbroadcast v1, $0x3;
	_ =	sdelay $0x1  }
0x1a8: {  	v2 =	vmul.f32 v2, v3;
	_ =	sdelay $0x1  }
0x1a9: {  	[tilespmem:s23+$0xFFFFFF10] =	vst v2  }
0x1aa: {  	v2 =	vld [tilespmem:s22+$0xFFFFFF70];
	_ =	sdelay $0x3  }
0x1ab: {  	v52 =	vmul.f32 v0, v3  }
0x1ac: {  	v2 =	vmul.f32 v2, v3  }
0x1ad: {  	[tilespmem:s23+$0xFFFFFF30] =	vst v52  }
0x1ae: {  	[tilespmem:s23+$0xFFFFFF20] =	vst v2  }
0x1af: {  	v2 =	vld [tilespmem:s22+$0xFFFFFF80];
	_ =	sdelay $0x2  }
0x1b0: {  	v3 =	vbroadcast v1, $0x4;
	_ =	sdelay $0x1  }
0x1b1: {  	v2 =	vmul.f32 v2, v3;
	_ =	sdelay $0x1  }
0x1b2: {  	[tilespmem:s23+$0xFFFFFF40] =	vst v2  }
0x1b3: {  	v2 =	vld [tilespmem:s22+$0xFFFFFF90];
	_ =	sdelay $0x3  }
0x1b4: {  	v53 =	vmul.f32 v0, v3  }
0x1b5: {  	v2 =	vmul.f32 v2, v3  }
0x1b6: {  	[tilespmem:s23+$0xFFFFFF60] =	vst v53  }
0x1b7: {  	[tilespmem:s23+$0xFFFFFF50] =	vst v2  }
0x1b8: {  	v2 =	vld [tilespmem:s22+$0xFFFFFFA0];
	_ =	sdelay $0x2  }
0x1b9: {  	v3 =	vbroadcast v1, $0x5;
	_ =	sdelay $0x1  }
0x1ba: {  	v2 =	vmul.f32 v2, v3;
	_ =	sdelay $0x1  }
0x1bb: {  	[tilespmem:s23+$0xFFFFFF70] =	vst v2  }
0x1bc: {  	v2 =	vld [tilespmem:s22+$0xFFFFFFB0];
	_ =	sdelay $0x3  }
0x1bd: {  	v54 =	vmul.f32 v0, v3  }
0x1be: {  	v2 =	vmul.f32 v2, v3  }
0x1bf: {  	[tilespmem:s23+$0xFFFFFF90] =	vst v54  }
0x1c0: {  	[tilespmem:s23+$0xFFFFFF80] =	vst v2  }
0x1c1: {  	v2 =	vld [tilespmem:s22+$0xFFFFFFC0];
	_ =	sdelay $0x2  }
0x1c2: {  	v3 =	vbroadcast v1, $0x6;
	_ =	sdelay $0x1  }
0x1c3: {  	v2 =	vmul.f32 v2, v3;
	_ =	sdelay $0x1  }
0x1c4: {  	[tilespmem:s23+$0xFFFFFFA0] =	vst v2  }
0x1c5: {  	v2 =	vld [tilespmem:s22+$0xFFFFFFD0];
	_ =	sdelay $0x3  }
0x1c6: {  	v55 =	vmul.f32 v0, v3  }
0x1c7: {  	v2 =	vmul.f32 v2, v3  }
0x1c8: {  	[tilespmem:s23+$0xFFFFFFC0] =	vst v55  }
0x1c9: {  	[tilespmem:s23+$0xFFFFFFB0] =	vst v2  }
0x1ca: {  	v2 =	vld [tilespmem:s22+$0xFFFFFFE0];
	_ =	sdelay $0x2  }
0x1cb: {  	v3 =	vbroadcast v1, $0x7;
	_ =	sdelay $0x1  }
0x1cc: {  	v2 =	vmul.f32 v2, v3;
	_ =	sdelay $0x1  }
0x1cd: {  	[tilespmem:s23+$0xFFFFFFD0] =	vst v2  }
0x1ce: {  	v2 =	vld [tilespmem:s22+$0xFFFFFFF0];
	_ =	sdelay $0x3  }
0x1cf: {  	v56 =	vmul.f32 v0, v3  }
0x1d0: {  	v2 =	vmul.f32 v2, v3  }
0x1d1: {  	[tilespmem:s23+$0xFFFFFFF0] =	vst v56  }
0x1d2: {  	[tilespmem:s23+$0xFFFFFFE0] =	vst v2  }
0x1d3: {  	v2 =	vld [tilespmem:s22+$0x0];
	_ =	sdelay $0x2  }
0x1d4: {  	v3 =	vbroadcast v1, $0x8;
	_ =	sdelay $0x1  }
0x1d5: {  	v2 =	vmul.f32 v2, v3;
	_ =	sdelay $0x1  }
0x1d6: {  	[tilespmem:s23+$0x0] =	vst v2  }
0x1d7: {  	v2 =	vld [tilespmem:s22+$0x10];
	_ =	sdelay $0x3  }
0x1d8: {  	v57 =	vmul.f32 v0, v3  }
0x1d9: {  	v2 =	vmul.f32 v2, v3  }
0x1da: {  	[tilespmem:s23+$0x20] =	vst v57  }
0x1db: {  	[tilespmem:s23+$0x10] =	vst v2  }
0x1dc: {  	v2 =	vld [tilespmem:s22+$0x20];
	_ =	sdelay $0x2  }
0x1dd: {  	v3 =	vbroadcast v1, $0x9;
	_ =	sdelay $0x1  }
0x1de: {  	v2 =	vmul.f32 v2, v3;
	_ =	sdelay $0x1  }
0x1df: {  	[tilespmem:s23+$0x30] =	vst v2  }
0x1e0: {  	v2 =	vld [tilespmem:s22+$0x30];
	_ =	sdelay $0x3  }
0x1e1: {  	v58 =	vmul.f32 v0, v3  }
0x1e2: {  	v2 =	vmul.f32 v2, v3  }
0x1e3: {  	[tilespmem:s23+$0x50] =	vst v58  }
0x1e4: {  	[tilespmem:s23+$0x40] =	vst v2  }
0x1e5: {  	v2 =	vld [tilespmem:s22+$0x40];
	_ =	sdelay $0x2  }
0x1e6: {  	v3 =	vbroadcast v1, $0xA;
	_ =	sdelay $0x1  }
0x1e7: {  	v2 =	vmul.f32 v2, v3;
	_ =	sdelay $0x1  }
0x1e8: {  	[tilespmem:s23+$0x60] =	vst v2  }
0x1e9: {  	v2 =	vld [tilespmem:s22+$0x50];
	_ =	sdelay $0x3  }
0x1ea: {  	v59 =	vmul.f32 v0, v3  }
0x1eb: {  	v2 =	vmul.f32 v2, v3  }
0x1ec: {  	[tilespmem:s23+$0x80] =	vst v59  }
0x1ed: {  	[tilespmem:s23+$0x70] =	vst v2  }
0x1ee: {  	v2 =	vld [tilespmem:s22+$0x60];
	_ =	sdelay $0x2  }
0x1ef: {  	v3 =	vbroadcast v1, $0xB;
	_ =	sdelay $0x1  }
0x1f0: {  	v2 =	vmul.f32 v2, v3;
	_ =	sdelay $0x1  }
0x1f1: {  	[tilespmem:s23+$0x90] =	vst v2  }
0x1f2: {  	v2 =	vld [tilespmem:s22+$0x70];
	_ =	sdelay $0x3  }
0x1f3: {  	v60 =	vmul.f32 v0, v3  }
0x1f4: {  	v2 =	vmul.f32 v2, v3  }
0x1f5: {  	[tilespmem:s23+$0xB0] =	vst v60  }
0x1f6: {  	[tilespmem:s23+$0xA0] =	vst v2  }
0x1f7: {  	v2 =	vld [tilespmem:s22+$0x80];
	_ =	sdelay $0x2  }
0x1f8: {  	v3 =	vbroadcast v1, $0xC;
	_ =	sdelay $0x1  }
0x1f9: {  	v2 =	vmul.f32 v2, v3;
	_ =	sdelay $0x1  }
0x1fa: {  	[tilespmem:s23+$0xC0] =	vst v2  }
0x1fb: {  	v2 =	vld [tilespmem:s22+$0x90];
	_ =	sdelay $0x3  }
0x1fc: {  	v61 =	vmul.f32 v0, v3  }
0x1fd: {  	v2 =	vmul.f32 v2, v3  }
0x1fe: {  	[tilespmem:s23+$0xE0] =	vst v61  }
0x1ff: {  	[tilespmem:s23+$0xD0] =	vst v2  }
0x200: {  	v2 =	vld [tilespmem:s22+$0xA0];
	_ =	sdelay $0x2  }
0x201: {  	v3 =	vbroadcast v1, $0xD;
	_ =	sdelay $0x1  }
0x202: {  	v2 =	vmul.f32 v2, v3;
	_ =	sdelay $0x1  }
0x203: {  	[tilespmem:s23+$0xF0] =	vst v2  }
0x204: {  	v2 =	vld [tilespmem:s22+$0xB0];
	_ =	sdelay $0x3  }
0x205: {  	v62 =	vmul.f32 v0, v3  }
0x206: {  	v2 =	vmul.f32 v2, v3  }
0x207: {  	[tilespmem:s23+$0x110] =	vst v62  }
0x208: {  	[tilespmem:s23+$0x100] =	vst v2  }
0x209: {  	v2 =	vld [tilespmem:s22+$0xC0];
	_ =	sdelay $0x2  }
0x20a: {  	v3 =	vbroadcast v1, $0xE;
	_ =	sdelay $0x1  }
0x20b: {  	v2 =	vmul.f32 v2, v3;
	_ =	sdelay $0x1  }
0x20c: {  	[tilespmem:s23+$0x120] =	vst v2  }
0x20d: {  	v2 =	vld [tilespmem:s22+$0xD0];
	_ =	sdelay $0x3  }
0x20e: {  	v63 =	vmul.f32 v0, v3  }
0x20f: {  	v2 =	vmul.f32 v2, v3  }
0x210: {  	[tilespmem:s23+$0x140] =	vst v63  }
0x211: {  	[tilespmem:s23+$0x130] =	vst v2  }
0x212: {  	v2 =	vld [tilespmem:s22+$0xE0];
	_ =	sdelay $0x2  }
0x213: {  	v1 =	vbroadcast v1, $0xF;
	_ =	sdelay $0x1  }
0x214: {  	v2 =	vmul.f32 v2, v1;
	_ =	sdelay $0x1  }
0x215: {  	[tilespmem:s23+$0x150] =	vst v2  }
0x216: {  	v2 =	vld [tilespmem:s22+$0xF0];
	_ =	sdelay $0x3  }
0x217: {  	v3 =	vmul.f32 v0, v1  }
0x218: {  	s21 =	sadd.s32 $0x1, s21;
	v1 =	vmul.f32 v2, v1  }
0x219: {  	p0 =	sne.s32 s21, $0x7D;
	[tilespmem:s23+$0x170] =	vst v3  }
.Ltmp1:
0x21a: {  	[tilespmem:s23+$0x160] =	vst v1;
	(pc) =	sbr.rel @p0 .LBB2_2-.Ltmp1, $4  }
0x21b: {  	[spmem:s3] =	stream.indirect.scatter.add.f32 [tilespmem:s19], [sflag:$0x2], $0x30, s16, s16, $0xb8;
	[tilespmem:$0x1C8F0] =	vst v63  }
0x21c: {  	_ =	swait.ge [sflag:s14], $0xF00  }
0x21d: {  	[sflag:s14] =	ssyncset.done $0x0  }
0x21e: {  	[sflag:s14] =	ssyncadd.s32 $0xFFFFF100  }
0x21f: {  	s20 =	sadd.s32 $0x1, s20  }
0x220: {  	p0 =	sne.s32 s20, s12  }
.Ltmp2:
0x221: {  	[bflag:$0x0] =	sbarrier.arrive $0xFFFF;
	(pc) =	sbr.rel @p0 .LBB2_1-.Ltmp2, $4  }
0x222: {  	[hbm:s11], [sflag:s9] =	dma.local [spmem:s13], $0xED0  }
0x223: {  	_ =	swait.ge [sflag:s14], $0xED0  }
0x224: {  	[sflag:s14] =	ssyncset.done $0x0  }
0x225: {  	[sflag:s14] =	ssyncadd.s32 $0xFFFFF130  }
0x226: {  	_ =	sfence.sel $0x180000  }
0x227: {  	[bflag:$0x0] =	sbarrier.arrive $0xFFFF  }
0x228: {  	p0 =	sne.s32 s1, $0x0;
	_ =	strace $0x9000004A  }
0x229: {  	s0 =	sadd.s32 @!p0 $0x100000, s0;
	[bflag:$0x2] =	sbarrier.arrive $0xFFFF  }
0x22a: {  	[sflag:s0] =	ssyncadd.tile.s32 @!p0 $0x1;
	_ =	shalt  }
.Lfunc_end2:
_tile_overlayer_lowered:
.L_overlay_start_2:
0x22b: {  	(tag) =	ssettag $0x2  }
0x22c: {  	s0 =	rddreg [dreg:$0x0];
	s2 =	stileid.u32  }
0x22d: {  	s1 =	rddreg [dreg:$0x1];
	p0 =	sne.s32 s2, $0x0  }
0x22e: {  	s3 =	rddreg [dreg:$0x2];
	[bflag:$0x3] =	sbarrier.arrive $0xFFFF;
	s2 =	simm.s32 @!p0 $0x1C02  }
0x22f: {  	[timem:s3], [sflag:s2] =	dma.local @!p0 [hbm:s0], s1  }
0x230: {  	s0 =	simm.s32 @!p0 $0x2  }
0x231: {  	_ =	swait.ge @!p0 [sflag:s0], s1  }
0x232: {  	s1 =	ssub.s32 @!p0 $0x0, s1;
	[sflag:s0] =	ssyncset.done @!p0 $0x0  }
0x233: {  	[sflag:s0] =	ssyncadd.s32 @!p0 s1  }
0x234: {  	[bflag:$0x3] =	sbarrier.arrive $0xFFFF  }
0x235: {  	_ =	shalt  }

// kernel: kernel.7.cloned.1.call-start
scs
__scs_entry_jumppad:
0x0: {  	(pc) =	sbr.rel $0x88, $3  }
0x1: {  	(tag) =	ssettag $0x0;
	lr =	simm.s32 $0x1  }
0x2: {  	[smem:$0x3F8B] =	sst lr;
	_ =	strace $0xD0000000  }
0x3: {  	_ = 	snop  }
0x4: {  	_ = 	snop  }
0x5: {  	_ = 	snop  }
0x6: {  	_ = 	snop  }
0x7: {  	_ = 	snop  }
__scs_overlays_trampoline_lowered:
0x8: {  	[smem:$0x3F9A] =	sst s0  }
0x9: {  	[smem:$0x3F9B] =	sst s1  }
0xa: {  	[smem:$0x3F9C] =	sst s2  }
0xb: {  	[smem:$0x3F9D] =	sst s3  }
0xc: {  	[smem:$0x3F9E] =	sst s4  }
0xd: {  	[smem:$0x3F9F] =	sst s5  }
0xe: {  	[smem:$0x3FA0] =	sst s6  }
0xf: {  	[smem:$0x3FA1] =	sst s7  }
0x10: {  	[smem:$0x3FA2] =	sst s8  }
0x11: {  	[smem:$0x3FA3] =	sst s9;
	s0 =	simm.s32 @!p0 $0x0  }
0x12: {  	s1 =	sld [smem:$0x3F89];
	s0 =	simm.s32 @p0 $0x1  }
0x13: {  	[smem:$0x3FA4] =	sst s0;
	s0 =	simm.s32 @!p1 $0x0  }
0x14: {  	s2 =	sld [smem:$0x3F88];
	s0 =	simm.s32 @p1 $0x1  }
0x15: {  	[smem:$0x3FA5] =	sst s0;
	s0 =	simm.s32 @!p2 $0x0  }
0x16: {  	s3 =	sld [smem:$0x3FDB];
	s0 =	simm.s32 @p2 $0x1  }
0x17: {  	s4 =	simm.s32 $0x1BF5;
	[smem:$0x3FA7] =	sst s0  }
0x18: {  	s0 =	sld [smem:$0x3F8A];
	_ =	swait.ge [sflag:s4], $0x0  }
0x19: {  	s7 =	sld [smem:$0x3F8B]  }
0x1a: {  	s8 =	sadd.s32 $0xFFFFE003, lr  }
0x1b: {  	s9 =	sadd.s32 $0xFFFFFEF7, lr;
	s5 =	simm.s32 $0xFFFFFFFF;
	p2 =	slt.u32 s8, $0xFFFFF086  }
0x1c: {  	p1 =	slt.u32 s9, $0xF7A;
	s5 =	simm.s32 @!p2 $0x0  }
0x1d: {  	s5 =	simm.s32 @p1 $0x1;
	p0 =	seq.s32 s7, s2  }
0x1e: {  	s7 =	smul.u32 @!p0 $0xF7A, s2;
	p2 =	seq.s32 @!p0 s5, $0x0  }
0x1f: {  	s9 =	smul.u32 $0xF7A, s1;
	s8 =	simm.s32 @!p0 $0x1BF5;
	p2 =	por !p2, p0  }
0x20: {  	[sflag:s8] =	ssyncset.s32 @!p0 $0xFFFFF086;
	s6 =	sadd.s32 @!p0 s3, s7;
	s7 =	simm.s32 @!p0 $0x108  }
0x21: {  	s3 =	sadd.s32 s3, s9;
	s6 =	sadd.s32 @!p0 $0x88, s6;
	s7 =	simm.s32 @p2 $0x1082  }
0x22: {  	[simem:s7], [sflag:s8] =	dma.local @!p0 [hbm:s6], $0xF7A  }
0x23: {  	s9 =	sor.u32 $0xD0000000, s2;
	s6 =	simm.s32 $0x108;
	_ =	swait.ge @!p0 [sflag:s8], $0x0  }
0x24: {  	s3 =	sadd.s32 $0x88, s3;
	s6 =	simm.s32 @!p1 $0x1082;
	[sflag:s4] =	ssyncset.s32 $0xFFFFF086  }
0x25: {  	[simem:s6], [sflag:s4] =	dma.local [hbm:s3], $0xF7A  }
0x26: {  	[smem:$0x3F8B] =	sst s1;
	(tag) =	ssettag s2;
	_ =	strace s9  }
0x27: {  	s1 =	sld [smem:$0x3F9B]  }
0x28: {  	s2 =	sld [smem:$0x3F9C]  }
0x29: {  	s4 =	sld [smem:$0x3F9E]  }
0x2a: {  	p0 =	seq.s32 s5, $0x0;
	s5 =	sld [smem:$0x3F9F]  }
0x2b: {  	s6 =	sld [smem:$0x3FA0]  }
0x2c: {  	s7 =	sld [smem:$0x3FA1]  }
0x2d: {  	s3 =	simm.s32 $0x108;
	s8 =	sld [smem:$0x3FA2]  }
0x2e: {  	s3 =	simm.s32 @!p0 $0x1082;
	s9 =	sld [smem:$0x3FA3]  }
0x2f: {  	lr =	sadd.s32 s0, s3;
	s0 =	sld [smem:$0x3F9A]  }
0x30: {  	s3 =	sld [smem:$0x3F9D]  }
0x31: {  	[smem:$0x3FA6] =	sst s10  }
0x32: {  	s10 =	sld [smem:$0x3FA4];
	_ =	sdelay $0x3  }
0x33: {  	p0 =	seq.s32 s10, $0x1;
	s10 =	sld [smem:$0x3FA6];
	_ =	sdelay $0x3  }
0x34: {  	[smem:$0x3FA6] =	sst s10  }
0x35: {  	s10 =	sld [smem:$0x3FA5];
	_ =	sdelay $0x3  }
0x36: {  	p1 =	seq.s32 s10, $0x1;
	s10 =	sld [smem:$0x3FA6];
	_ =	sdelay $0x3  }
0x37: {  	[smem:$0x3FA6] =	sst s10  }
0x38: {  	s10 =	sld [smem:$0x3FA7]  }
0x39: {  	_ = 	snop;
	(pc) =	sbr.ind lr, $3  }
0x3a: {  	_ = 	snop  }
0x3b: {  	_ = 	snop  }
0x3c: {  	p2 =	seq.s32 s10, $0x1;
	s10 =	sld [smem:$0x3FA6]  }
0x3d: {  	_ =	shalt  }
0x3e: {  	_ =	shalt  }
0x3f: {  	_ =	shalt  }
0x40: {  	_ =	shalt  }
0x41: {  	_ =	shalt  }
0x42: {  	_ =	shalt  }
0x43: {  	_ =	shalt  }
0x44: {  	_ =	shalt  }
0x45: {  	_ =	shalt  }
0x46: {  	_ =	shalt  }
0x47: {  	_ =	shalt  }
0x48: {  	_ =	shalt  }
0x49: {  	_ =	shalt  }
0x4a: {  	_ =	shalt  }
0x4b: {  	_ =	shalt  }
0x4c: {  	_ =	shalt  }
0x4d: {  	_ =	shalt  }
0x4e: {  	_ =	shalt  }
0x4f: {  	_ =	shalt  }
0x50: {  	_ =	shalt  }
0x51: {  	_ =	shalt  }
0x52: {  	_ =	shalt  }
0x53: {  	_ =	shalt  }
0x54: {  	_ =	shalt  }
0x55: {  	_ =	shalt  }
0x56: {  	_ =	shalt  }
0x57: {  	_ =	shalt  }
0x58: {  	_ =	shalt  }
0x59: {  	_ =	shalt  }
0x5a: {  	_ =	shalt  }
0x5b: {  	_ =	shalt  }
0x5c: {  	_ =	shalt  }
0x5d: {  	_ =	shalt  }
0x5e: {  	_ =	shalt  }
0x5f: {  	_ =	shalt  }
0x60: {  	_ =	shalt  }
0x61: {  	_ =	shalt  }
0x62: {  	_ =	shalt  }
0x63: {  	_ =	shalt  }
0x64: {  	_ =	shalt  }
0x65: {  	_ =	shalt  }
0x66: {  	_ =	shalt  }
0x67: {  	_ =	shalt  }
0x68: {  	_ =	shalt  }
0x69: {  	_ =	shalt  }
0x6a: {  	_ =	shalt  }
0x6b: {  	_ =	shalt  }
0x6c: {  	_ =	shalt  }
0x6d: {  	_ =	shalt  }
0x6e: {  	_ =	shalt  }
0x6f: {  	_ =	shalt  }
0x70: {  	_ =	shalt  }
0x71: {  	_ =	shalt  }
0x72: {  	_ =	shalt  }
0x73: {  	_ =	shalt  }
0x74: {  	_ =	shalt  }
0x75: {  	_ =	shalt  }
0x76: {  	_ =	shalt  }
0x77: {  	_ =	shalt  }
0x78: {  	_ =	shalt  }
0x79: {  	_ =	shalt  }
0x7a: {  	_ =	shalt  }
0x7b: {  	_ =	shalt  }
0x7c: {  	_ =	shalt  }
0x7d: {  	_ =	shalt  }
0x7e: {  	_ =	shalt  }
0x7f: {  	_ =	shalt  }
0x80: {  	_ =	shalt  }
0x81: {  	_ =	shalt  }
0x82: {  	_ =	shalt  }
0x83: {  	_ =	shalt  }
0x84: {  	_ =	shalt  }
0x85: {  	_ =	shalt  }
0x86: {  	_ =	shalt  }
0x87: {  	_ =	shalt  }
.Lfunc_end0:
.L_simem_size_0:
called_computation_lowered:
.L_overlay_start_0:
0x88: {  	s2 =	sld [smem:$0x3FD9]  }
0x89: {  	s3 =	sld [smem:$0x3FFE];
	_ =	sdelay $0x1  }
0x8a: {  	s1 =	srdreg.scid  }
0x8b: {  	s0 =	sand.u32 $0x1, s1  }
0x8c: {  	s17 =	sshll.u32 s0, $0xA;
	s2 =	sadd.s32 s3, s2  }
0x8d: {  	s2 =	sadd.s32 s2, s17  }
0x8e: {  	[smem:$0x3FB2] =	sst s2  }
0x8f: {  	_ = 	snop  }
0x90: {  	s2 =	sld [smem:$0x3FD0];
	(tm) =	ssettm $0x1  }
0x91: {  	s18 =	sld [smem:$0x3FFB];
	_ =	sdelay $0x3  }
0x92: {  	_ =	strace s18  }
0x93: {  	s3 =	sld [smem:$0x3FFC];
	_ =	sdelay $0x3  }
0x94: {  	_ =	strace s3  }
0x95: {  	s3 =	sld [smem:$0x3FFD];
	_ =	sdelay $0x3  }
0x96: {  	_ =	strace s3  }
0x97: {  	_ =	strace $0x8FFFFFFF  }
0x98: {  	s19 =	sld [smem:$0x3FDB];
	_ =	sdelay $0x1  }
0x99: {  	s4 =	simm.s32 $_scs_section_size  }
0x9a: {  	s5 =	simm.s32 $_size__tile_overlayer_lowered;
	s6 =	simm.s32 $_tile_overlayer_lowered  }
0x9b: {  	s22 =	simm.s32 $0x1BFF;
	s21 =	sshll.u32 s6, $0x1;
	s3 =	sadd.s32 s4, s19  }
0x9c: {  	s7 =	simm.s32 $0x0;
	s20 =	sshll.u32 s5, $0x1;
	s5 =	sadd.s32 s21, s3  }
0x9d: {  	[timem:s7], [sflag:s22] =	dma.local [hbm:s5], s20  }
0x9e: {  	_ =	swait.ge [sflag:s22], s20  }
0x9f: {  	s4 =	ssub.s32 $0x0, s20;
	[sflag:s22] =	ssyncset.done $0x0  }
0xa0: {  	[sflag:s22] =	ssyncadd.s32 s4;
	_ =	sdelay $0x1  }
0xa1: {  	s23 =	simm.s32 $0x1B8B  }
0xa2: {  	_ =	swait.ge [sflag:s23], $0x1  }
0xa3: {  	[sflag:s23] =	ssyncset.done $0x0  }
0xa4: {  	s25 =	simm.s32 $0x1B8E;
	s24 =	sld [smem:$0x3FFE];
	[sflag:s23] =	ssyncadd.s32 $0xFFFFFFFF  }
0xa5: {  	s26 =	simm.s32 $execute0_lowered;
	[smem:$0x3FD2] =	sst s25  }
0xa6: {  	s5 =	sshll.u32 s26, $0x1;
	_ =	strace $0x80000046;
	[dreg:$0x1] =	wrdreg $0xFFFFFFFF  }
0xa7: {  	s28 =	simm.s32 $_size_execute0_lowered;
	s3 =	sadd.s32 s3, s5;
	[dreg:$0x0] =	wrdreg $0x0  }
0xa8: {  	s5 =	sshll.u32 s28, $0x1;
	[dreg:$0x2] =	wrdreg s3  }
0xa9: {  	[dreg:$0x3] =	wrdreg s5  }
0xaa: {  	[dreg:$0x4] =	wrdreg $0xC0  }
0xab: {  	_ =	task [dreg:s7], $0x5FFFF  }
0xac: {  	[dreg:$0x1] =	wrdreg $0xFFFFFFFF  }
0xad: {  	[dreg:$0x0] =	wrdreg $0x60  }
0xae: {  	[dreg:$0x2] =	wrdreg s24  }
0xaf: {  	[dreg:$0x3] =	wrdreg s2  }
0xb0: {  	[dreg:$0x4] =	wrdreg $0x5FA00  }
0xb1: {  	[dreg:$0x5] =	wrdreg $0x9  }
0xb2: {  	_ =	task.clear_ibuf [dreg:s7], $0x6FFFF;
	_ =	strace $0x90000046  }
0xb3: {  	s29 =	simm.s32 $0x9;
	_ =	strace $0x80000048  }
0xb4: {  	_ =	swait.ge [sflag:s29], $0x1  }
0xb5: {  	[sflag:s29] =	ssyncadd.s32 $0xFFFFFFFF  }
0xb6: {  	_ =	strace $0x90000048  }
0xb7: {  	_ =	sfence  }
0xb8: {  	s30 =	sld [smem:$0x0];
	_ =	sdelay $0x2  }
0xb9: {  	s31 =	sshll.u32 s1, $0xD;
	s1 =	sshrl.u32 s1, $0x2  }
0xba: {  	s3 =	sand.u32 $0x4000, s31;
	s1 =	sadd.s32 s1, s30  }
0xbb: {  	s0 =	sor.u32 s3, s0;
	s1 =	sshll.u32 s1, $0x11  }
0xbc: {  	s0 =	sor.u32 s1, s0  }
0xbd: {  	s0 =	sadd.s32 $0x8F2B, s0  }
0xbe: {  	[sflag:s0] =	ssyncadd.remote.s32 $0x1  }
0xbf: {  	_ =	sfence.sel $0xFFFF  }
0xc0: {  	[dreg:$0x0] =	wrdreg $0xFFFFFFFF;
	(pc) =	sbr.abs _section_cstart, $3  }
0xc1: {  	[dreg:$0x1] =	wrdreg $0xFFFFFFFF  }
0xc2: {  	_ =	task.clear_ibuf [dreg:s7], $0x2FFFF;
	_ =	strace $0x9FFFFFFF  }
0xc3: {  	(tm) =	ssettm $0x7FFFFFFF  }
tec
execute0_lowered:
.L_overlay_start_1:
0x0: {  	(tag) =	ssettag $0x1  }
0x1: {  	s10 =	rddreg [dreg:$0x0]  }
0x2: {  	s2 =	rddreg [dreg:$0x1]  }
0x3: {  	s3 =	rddreg [dreg:$0x2]  }
0x4: {  	s0 =	rddreg [dreg:$0x3]  }
0x5: {  	s5 =	srdreg.scid;
	s1 =	stileid.u32;
	s4 =	simm.s32 $0x0  }
0x6: {  	s17 =	simm.s32 $0xAA0;
	s18 =	simm.s32 $0xA0;
	s19 =	simm.s32 $0x5A0  }
0x7: {  	s20 =	simm.s32 $0x1;
	s21 =	simm.s32 $0x32A0;
	s22 =	simm.s32 $0x0  }
0x8: {  	s11 =	sand.u32 $0x1, s5;
	s12 =	smul.u32 $0x16380, s1;
	[smem:$0x7FF] =	sst s4  }
0x9: {  	s5 =	sadd.s32 $0x34400, s10;
	s6 =	sadd.s32 $0x2F400, s10;
	s7 =	sadd.s32 $0x2A400, s10  }
0xa: {  	s31 =	sshll.u32 s1, $0x6;
	s8 =	smul.u32 $0x163800, s11;
	s14 =	ssub.s32 $0x2, s11  }
0xb: {  	_ =	strace $0x80000047;
	s30 =	sshll.u32 s11, $0x4;
	s29 =	sshrl.u32 s14, $0x1  }
0xc: {  	s15 =	sor.u32 s1, s30;
	s16 =	sadd.s32 s12, s3;
	s9 =	sadd.s32 s12, s8  }
0xd: {  	s8 =	sadd.s32 $0x3200, s10;
	s14 =	ssub.s32 s14, s29;
	s13 =	sshrl.u32 s9, $0x3  }
0xe: {  	s11 =	smul.u32 $0x2710, s15;
	s15 =	simm.s32 $0x2;
	s13 =	sadd.s32 s13, s10  }
0xf: {  	v0 =	vimm.f32 $0.0e+00;
	vm0 =	vcmask $0x1F00;
	s9 =	sadd.s32 $0x3E200, s10;
	s10 =	sor.u32 $0x1C02, s31;
	s12 =	sadd.s32 $0x41000, s13  }
0x10: {  	v0 =	vsel vm0, $0x3F800000, v0;
	s13 =	smax.u32 s14, $0x1;
	s14 =	sshrl.u32 s16, $0x3;
	s16 =	simm.s32 $0x50  }
.LBB2_1:
0x11: {  	[spmem:s14], [sflag:s10] =	dma.local [hbm:s9], $0x2C70  }
0x12: {  	_ =	swait.ge [sflag:s15], $0x2C70  }
0x13: {  	[sflag:s15] =	ssyncset.done $0x0  }
0x14: {  	[sflag:s15] =	ssyncadd.s32 $0xFFFFD390  }
0x15: {  	s23 =	simm.s32 $0x0;
	[bflag:$0x0] =	sbarrier.arrive $0xFFFF  }
.LBB2_2:
0x16: {  	s24 =	smul.u32 $0x50, s23;
	_ =	sdelay $0x1  }
0x17: {  	s24 =	sadd.s32 s11, s24  }
0x18: {  	s24 =	sshrl.u32 s24, $0x3  }
0x19: {  	s25 =	sadd.s32 s5, s24  }
0x1a: {  	[tilespmem:s4], [sflag:$0x2] =	stream.linear.gather [hbm4b:s25+s4], $0x50, $0x38;
	[tilespmem:$0x1C320] =	vst v63  }
0x1b: {  	_ =	swait.ge [sflag:s15], $0x50  }
0x1c: {  	[sflag:s15] =	ssyncset.done $0x0  }
0x1d: {  	s24 =	sadd.s32 s2, s24;
	[sflag:s15] =	ssyncadd.s32 $0xFFFFFFB0  }
0x1e: {  	[tilespmem:s16], [sflag:$0x2] =	stream.linear.gather [hbm4b:s24+s4], $0x50, $0x38;
	[tilespmem:$0x1C320] =	vst v63  }
0x1f: {  	_ =	swait.ge [sflag:s15], $0x50  }
0x20: {  	[sflag:s15] =	ssyncset.done $0x0  }
0x21: {  	[sflag:s15] =	ssyncadd.s32 $0xFFFFFFB0  }
0x22: {  	[tilespmem:s17], [sflag:$0x1] =	stream.indirect.gather [hbm4b:s8+s16], $0x80, s4, s16, $0xb8;
	[tilespmem:$0x1C320] =	vst v63  }
0x23: {  	_ = 	snop  }
0x24: {  	[tilespmem:s18], [sflag:$0x2] =	stream.indirect.gather [hbm4b:s6+s16], $0x10, s4, s16, $0xb8;
	[tilespmem:$0x1C320] =	vst v63  }
0x25: {  	_ =	swait.ge [sflag:s15], $0x500  }
0x26: {  	[sflag:s15] =	ssyncset.done $0x0  }
0x27: {  	[sflag:s15] =	ssyncadd.s32 $0xFFFFFB00  }
0x28: {  	[tilespmem:s19], [sflag:$0x2] =	stream.indirect.gather [hbm4b:s7+s16], $0x10, s16, s16, $0xb8;
	[tilespmem:$0x1C320] =	vst v63  }
0x29: {  	_ =	swait.ge [sflag:s15], $0x500  }
0x2a: {  	[sflag:s15] =	ssyncset.done $0x0  }
0x2b: {  	s24 =	simm.s32 $0xC0;
	[sflag:s15] =	ssyncadd.s32 $0xFFFFFB00  }
0x2c: {  	s26 =	simm.s32 $0x5C0;
	v1 =	vld [tilespmem:s24+$0xFFFFFFE0]  }
0x2d: {  	v2 =	vld [tilespmem:s26+$0xFFFFFFE0];
	_ =	sdelay $0x4  }
0x2e: {  	v1 =	vadd.f32 v2, v1;
	_ =	sdelay $0x1  }
0x2f: {  	v2 =	vmul.f32 $2.000000030e-01, v1  }
0x30: {  	vm0 =	vge.f32 v1, $0.0e+00  }
0x31: {  	v1 =	vsel vm0, v1, v2  }
0x32: {  	v1 =	vmul.f32 $1.442695020e+00, v1;
	_ =	sdelay $0x1  }
0x33: {  	(erf) = vpow2.f32 v1;
	_ =	sdelay $0x8  }
0x34: {  	v1 =	vpop (erf)  }
0x35: {  	v1 =	vmul.f32 v0, v1  }
0x36: {  	s25 =	simm.s32 $0x3440  }
0x37: {  	[tilespmem:s25+$0xFFFFFEE0] =	vst v1  }
0x38: {  	v1 =	vld [tilespmem:s26+$0xFFFFFFF0]  }
0x39: {  	v2 =	vld [tilespmem:s24+$0xFFFFFFF0];
	_ =	sdelay $0x4  }
0x3a: {  	v1 =	vadd.f32 v1, v2;
	_ =	sdelay $0x1  }
0x3b: {  	v2 =	vmul.f32 $2.000000030e-01, v1  }
0x3c: {  	vm13 =	vge.f32 v1, $0.0e+00  }
0x3d: {  	v1 =	vsel vm13, v1, v2  }
0x3e: {  	v1 =	vmul.f32 $1.442695020e+00, v1;
	_ =	sdelay $0x1  }
0x3f: {  	(erf) = vpow2.f32 v1;
	_ =	sdelay $0x8  }
0x40: {  	v1 =	vpop (erf)  }
0x41: {  	v1 =	vmul.f32 v0, v1;
	_ =	sdelay $0x1  }
0x42: {  	[tilespmem:s25+$0xFFFFFF70] =	vst v1  }
0x43: {  	v1 =	vld [tilespmem:s24+$0x0]  }
0x44: {  	v2 =	vld [tilespmem:s26+$0x0];
	_ =	sdelay $0x4  }
0x45: {  	v1 =	vadd.f32 v2, v1;
	_ =	sdelay $0x1  }
0x46: {  	v2 =	vmul.f32 $2.000000030e-01, v1  }
0x47: {  	vm14 =	vge.f32 v1, $0.0e+00  }
0x48: {  	v1 =	vsel vm14, v1, v2  }
0x49: {  	v1 =	vmul.f32 $1.442695020e+00, v1;
	_ =	sdelay $0x1  }
0x4a: {  	(erf) = vpow2.f32 v1;
	_ =	sdelay $0x8  }
0x4b: {  	v1 =	vpop (erf)  }
0x4c: {  	v1 =	vmul.f32 v0, v1;
	_ =	sdelay $0x1  }
0x4d: {  	[tilespmem:s25+$0x0] =	vst v1  }
0x4e: {  	v1 =	vld [tilespmem:s24+$0x10]  }
0x4f: {  	v2 =	vld [tilespmem:s26+$0x10];
	_ =	sdelay $0x4  }
0x50: {  	v1 =	vadd.f32 v2, v1;
	_ =	sdelay $0x1  }
0x51: {  	v2 =	vmul.f32 $2.000000030e-01, v1  }
0x52: {  	vm15 =	vge.f32 v1, $0.0e+00  }
0x53: {  	v1 =	vsel vm15, v1, v2  }
0x54: {  	v1 =	vmul.f32 $1.442695020e+00, v1;
	_ =	sdelay $0x1  }
0x55: {  	(erf) = vpow2.f32 v1;
	_ =	sdelay $0x7  }
0x56: {  	s29 =	simm.s32 $0x600;
	s28 =	simm.s32 $0x3440;
	s26 =	simm.s32 $0x0  }
.LBB2_3:
0x57: {  	s26 =	sadd.s32 $0x4, s26;
	s25 =	sadd.s32 $0x240, s25;
	s24 =	sadd.s32 $0x40, s24;
	v1 =	vpop (erf)  }
0x58: {  	p0 =	slt.u32 s26, $0x4C;
	v1 =	vmul.f32 v0, v1;
	_ =	sdelay $0x1  }
0x59: {  	[tilespmem:s28+$0x90] =	vst v1;
	s28 =	smov.u32 s25  }
0x5a: {  	v1 =	vld [tilespmem:s24+$0xFFFFFFE0]  }
0x5b: {  	v2 =	vld [tilespmem:s29+$0xFFFFFFE0];
	_ =	sdelay $0x4  }
0x5c: {  	v1 =	vadd.f32 v2, v1;
	_ =	sdelay $0x1  }
0x5d: {  	v2 =	vmul.f32 $2.000000030e-01, v1  }
0x5e: {  	vm0 =	vge.f32 v1, $0.0e+00  }
0x5f: {  	v1 =	vsel vm0, v1, v2  }
0x60: {  	v1 =	vmul.f32 $1.442695020e+00, v1;
	_ =	sdelay $0x1  }
0x61: {  	(erf) = vpow2.f32 v1;
	_ =	sdelay $0x8  }
0x62: {  	v1 =	vpop (erf)  }
0x63: {  	v1 =	vmul.f32 v0, v1;
	_ =	sdelay $0x1  }
0x64: {  	[tilespmem:s25+$0xFFFFFEE0] =	vst v1  }
0x65: {  	v1 =	vld [tilespmem:s29+$0xFFFFFFF0]  }
0x66: {  	v2 =	vld [tilespmem:s24+$0xFFFFFFF0];
	_ =	sdelay $0x4  }
0x67: {  	v1 =	vadd.f32 v1, v2;
	_ =	sdelay $0x1  }
0x68: {  	vm0 =	vge.f32 v1, $0.0e+00;
	v2 =	vmul.f32 $2.000000030e-01, v1;
	_ =	sdelay $0x1  }
0x69: {  	v1 =	vsel vm0, v1, v2  }
0x6a: {  	v1 =	vmul.f32 $1.442695020e+00, v1;
	_ =	sdelay $0x1  }
0x6b: {  	(erf) = vpow2.f32 v1;
	_ =	sdelay $0x8  }
0x6c: {  	v1 =	vpop (erf)  }
0x6d: {  	v1 =	vmul.f32 v0, v1;
	_ =	sdelay $0x1  }
0x6e: {  	[tilespmem:s25+$0xFFFFFF70] =	vst v1  }
0x6f: {  	v1 =	vld [tilespmem:s24+$0x0]  }
0x70: {  	v2 =	vld [tilespmem:s29+$0x0];
	_ =	sdelay $0x4  }
0x71: {  	v1 =	vadd.f32 v2, v1;
	_ =	sdelay $0x1  }
0x72: {  	vm0 =	vge.f32 v1, $0.0e+00;
	v2 =	vmul.f32 $2.000000030e-01, v1;
	_ =	sdelay $0x1  }
0x73: {  	v1 =	vsel vm0, v1, v2  }
0x74: {  	v1 =	vmul.f32 $1.442695020e+00, v1;
	_ =	sdelay $0x1  }
0x75: {  	(erf) = vpow2.f32 v1;
	_ =	sdelay $0x8  }
0x76: {  	v1 =	vpop (erf)  }
0x77: {  	v1 =	vmul.f32 v0, v1;
	_ =	sdelay $0x1  }
0x78: {  	[tilespmem:s25+$0x0] =	vst v1  }
0x79: {  	v1 =	vld [tilespmem:s24+$0x10]  }
0x7a: {  	v2 =	vld [tilespmem:s29+$0x10];
	_ =	sdelay $0x4  }
0x7b: {  	v1 =	vadd.f32 v2, v1;
	_ =	sdelay $0x1  }
0x7c: {  	vm0 =	vge.f32 v1, $0.0e+00;
	v2 =	vmul.f32 $2.000000030e-01, v1;
	_ =	sdelay $0x1  }
0x7d: {  	v1 =	vsel vm0, v1, v2  }
0x7e: {  	v1 =	vmul.f32 $1.442695020e+00, v1;
	_ =	sdelay $0x1  }
0x7f: {  	(erf) = vpow2.f32 v1;
	_ =	sdelay $0x3  }
.Ltmp0:
0x80: {  	(pc) =	sbr.rel @p0 .LBB2_3-.Ltmp0, $2  }
0x81: {  	_ =	sdelay $0x2  }
0x82: {  	s29 =	sadd.s32 $0x40, s29  }
0x83: {  	v1 =	vpop (erf)  }
0x84: {  	v1 =	vmul.f32 v0, v1;
	_ =	sdelay $0x1  }
0x85: {  	[tilespmem:s28+$0x90] =	vst v1  }
0x86: {  	_ =	swait.ge [sflag:s20], $0x2800  }
0x87: {  	[sflag:s20] =	ssyncset.done $0x0  }
0x88: {  	s24 =	simm.s32 $0x32E0;
	[sflag:s20] =	ssyncadd.s32 $0xFFFFD800  }
0x89: {  	v1 =	vld [tilespmem:s24+$0x40]  }
0x8a: {  	s25 =	simm.s32 $0x0  }
0x8b: {  	v2 =	vld [tilespmem:s25+$0xAA0];
	_ =	sdelay $0x2  }
0x8c: {  	v3 =	vbroadcast v1, $0x0;
	_ =	sdelay $0x1  }
0x8d: {  	v2 =	vmul.f32 v3, v2;
	_ =	sdelay $0x1  }
0x8e: {  	[tilespmem:s24+$0xFFFFFFC0] =	vst v2  }
0x8f: {  	v2 =	vld [tilespmem:s25+$0xAB0];
	_ =	sdelay $0x2  }
0x90: {  	v3 =	vbroadcast v1, $0x1;
	_ =	sdelay $0x1  }
0x91: {  	v2 =	vmul.f32 v2, v3;
	_ =	sdelay $0x1  }
0x92: {  	[tilespmem:s24+$0xFFFFFFD0] =	vst v2  }
0x93: {  	v2 =	vld [tilespmem:s25+$0xAC0];
	_ =	sdelay $0x2  }
0x94: {  	v3 =	vbroadcast v1, $0x2;
	_ =	sdelay $0x1  }
0x95: {  	v2 =	vmul.f32 v2, v3;
	_ =	sdelay $0x1  }
0x96: {  	[tilespmem:s24+$0xFFFFFFE0] =	vst v2  }
0x97: {  	v2 =	vld [tilespmem:s25+$0xAD0];
	_ =	sdelay $0x2  }
0x98: {  	v3 =	vbroadcast v1, $0x3;
	_ =	sdelay $0x1  }
0x99: {  	v2 =	vmul.f32 v2, v3;
	_ =	sdelay $0x1  }
0x9a: {  	[tilespmem:s24+$0xFFFFFFF0] =	vst v2  }
0x9b: {  	v2 =	vld [tilespmem:s25+$0xAE0];
	_ =	sdelay $0x2  }
0x9c: {  	v3 =	vbroadcast v1, $0x4;
	_ =	sdelay $0x1  }
0x9d: {  	v2 =	vmul.f32 v2, v3;
	_ =	sdelay $0x1  }
0x9e: {  	[tilespmem:s24+$0x0] =	vst v2  }
0x9f: {  	v2 =	vld [tilespmem:s25+$0xAF0];
	_ =	sdelay $0x2  }
0xa0: {  	v3 =	vbroadcast v1, $0x5;
	_ =	sdelay $0x1  }
0xa1: {  	v2 =	vmul.f32 v2, v3;
	_ =	sdelay $0x1  }
0xa2: {  	[tilespmem:s24+$0x10] =	vst v2  }
0xa3: {  	v2 =	vld [tilespmem:s25+$0xB00];
	_ =	sdelay $0x2  }
0xa4: {  	v3 =	vbroadcast v1, $0x6;
	_ =	sdelay $0x1  }
0xa5: {  	v2 =	vmul.f32 v2, v3;
	_ =	sdelay $0x1  }
0xa6: {  	[tilespmem:s24+$0x20] =	vst v2  }
0xa7: {  	v2 =	vld [tilespmem:s25+$0xB10];
	_ =	sdelay $0x2  }
0xa8: {  	v1 =	vbroadcast v1, $0x7;
	_ =	sdelay $0x1  }
0xa9: {  	s25 =	simm.s32 $0x3370;
	v2 =	vmul.f32 v2, v1  }
0xaa: {  	s26 =	simm.s32 $0x400;
	s28 =	simm.s32 $0x200;
	v1 =	vld [tilespmem:s25+$0x40]  }
.LBB2_5:
0xab: {  	p0 =	sne.s32 s26, $0x9E00;
	s29 =	sshra.s32 s28, $0x2;
	[tilespmem:s24+$0x30] =	vst v2;
	s24 =	smov.u32 s25  }
0xac: {  	s28 =	smov.u32 s26;
	v2 =	vld [tilespmem:s29+$0xAA0];
	_ =	sdelay $0x2  }
0xad: {  	v3 =	vbroadcast v1, $0x0;
	_ =	sdelay $0x1  }
0xae: {  	v2 =	vmul.f32 v3, v2;
	_ =	sdelay $0x1  }
0xaf: {  	[tilespmem:s25+$0xFFFFFFC0] =	vst v2  }
0xb0: {  	v2 =	vld [tilespmem:s29+$0xAB0];
	_ =	sdelay $0x2  }
0xb1: {  	v3 =	vbroadcast v1, $0x1;
	_ =	sdelay $0x1  }
0xb2: {  	v2 =	vmul.f32 v2, v3;
	_ =	sdelay $0x1  }
0xb3: {  	[tilespmem:s25+$0xFFFFFFD0] =	vst v2  }
0xb4: {  	v2 =	vld [tilespmem:s29+$0xAC0];
	_ =	sdelay $0x2  }
0xb5: {  	v3 =	vbroadcast v1, $0x2;
	_ =	sdelay $0x1  }
0xb6: {  	v2 =	vmul.f32 v2, v3;
	_ =	sdelay $0x1  }
0xb7: {  	[tilespmem:s25+$0xFFFFFFE0] =	vst v2  }
0xb8: {  	v2 =	vld [tilespmem:s29+$0xAD0];
	_ =	sdelay $0x2  }
0xb9: {  	v3 =	vbroadcast v1, $0x3;
	_ =	sdelay $0x1  }
0xba: {  	v2 =	vmul.f32 v2, v3;
	_ =	sdelay $0x1  }
0xbb: {  	[tilespmem:s25+$0xFFFFFFF0] =	vst v2  }
0xbc: {  	v2 =	vld [tilespmem:s29+$0xAE0];
	_ =	sdelay $0x2  }
0xbd: {  	v3 =	vbroadcast v1, $0x4;
	_ =	sdelay $0x1  }
0xbe: {  	v2 =	vmul.f32 v2, v3;
	_ =	sdelay $0x1  }
0xbf: {  	[tilespmem:s25+$0x0] =	vst v2  }
0xc0: {  	v2 =	vld [tilespmem:s29+$0xAF0];
	_ =	sdelay $0x2  }
0xc1: {  	v3 =	vbroadcast v1, $0x5;
	_ =	sdelay $0x1  }
0xc2: {  	v2 =	vmul.f32 v2, v3;
	_ =	sdelay $0x1  }
0xc3: {  	[tilespmem:s25+$0x10] =	vst v2  }
0xc4: {  	v2 =	vld [tilespmem:s29+$0xB00];
	_ =	sdelay $0x2  }
0xc5: {  	v3 =	vbroadcast v1, $0x6;
	_ =	sdelay $0x1  }
0xc6: {  	v2 =	vmul.f32 v2, v3;
	_ =	sdelay $0x1  }
0xc7: {  	[tilespmem:s25+$0x20] =	vst v2  }
0xc8: {  	v2 =	vld [tilespmem:s29+$0xB10];
	_ =	sdelay $0x1  }
.Ltmp1:
0xc9: {  	(pc) =	sbr.rel @p0 .LBB2_5-.Ltmp1, $3  }
0xca: {  	v1 =	vbroadcast v1, $0x7;
	_ =	sdelay $0x1  }
0xcb: {  	s25 =	sadd.s32 $0x90, s25;
	v2 =	vmul.f32 v2, v1  }
0xcc: {  	s26 =	sadd.s32 $0x200, s26;
	v1 =	vld [tilespmem:s25+$0x40]  }
0xcd: {  	s26 =	sshra.s32 s28, $0x2;
	[tilespmem:s24+$0x30] =	vst v2  }
0xce: {  	v2 =	vld [tilespmem:s26+$0xAA0];
	_ =	sdelay $0x2  }
0xcf: {  	v3 =	vbroadcast v1, $0x0;
	_ =	sdelay $0x1  }
0xd0: {  	v2 =	vmul.f32 v3, v2;
	_ =	sdelay $0x1  }
0xd1: {  	[tilespmem:s25+$0xFFFFFFC0] =	vst v2  }
0xd2: {  	v2 =	vld [tilespmem:s26+$0xAB0];
	_ =	sdelay $0x2  }
0xd3: {  	v3 =	vbroadcast v1, $0x1;
	_ =	sdelay $0x1  }
0xd4: {  	v2 =	vmul.f32 v2, v3;
	_ =	sdelay $0x1  }
0xd5: {  	[tilespmem:s25+$0xFFFFFFD0] =	vst v2  }
0xd6: {  	v2 =	vld [tilespmem:s26+$0xAC0];
	_ =	sdelay $0x2  }
0xd7: {  	v3 =	vbroadcast v1, $0x2;
	_ =	sdelay $0x1  }
0xd8: {  	v2 =	vmul.f32 v2, v3;
	_ =	sdelay $0x1  }
0xd9: {  	[tilespmem:s25+$0xFFFFFFE0] =	vst v2  }
0xda: {  	v2 =	vld [tilespmem:s26+$0xAD0];
	_ =	sdelay $0x2  }
0xdb: {  	v3 =	vbroadcast v1, $0x3;
	_ =	sdelay $0x1  }
0xdc: {  	v2 =	vmul.f32 v2, v3;
	_ =	sdelay $0x1  }
0xdd: {  	[tilespmem:s25+$0xFFFFFFF0] =	vst v2  }
0xde: {  	v2 =	vld [tilespmem:s26+$0xAE0];
	_ =	sdelay $0x2  }
0xdf: {  	v3 =	vbroadcast v1, $0x4;
	_ =	sdelay $0x1  }
0xe0: {  	v2 =	vmul.f32 v2, v3;
	_ =	sdelay $0x1  }
0xe1: {  	[tilespmem:s25+$0x0] =	vst v2  }
0xe2: {  	v2 =	vld [tilespmem:s26+$0xAF0];
	_ =	sdelay $0x2  }
0xe3: {  	v3 =	vbroadcast v1, $0x5;
	_ =	sdelay $0x1  }
0xe4: {  	v2 =	vmul.f32 v2, v3;
	_ =	sdelay $0x1  }
0xe5: {  	[tilespmem:s25+$0x10] =	vst v2  }
0xe6: {  	v2 =	vld [tilespmem:s26+$0xB00];
	_ =	sdelay $0x2  }
0xe7: {  	v3 =	vbroadcast v1, $0x6;
	_ =	sdelay $0x1  }
0xe8: {  	v2 =	vmul.f32 v2, v3;
	_ =	sdelay $0x1  }
0xe9: {  	[tilespmem:s25+$0x20] =	vst v2  }
0xea: {  	v2 =	vld [tilespmem:s26+$0xB10];
	_ =	sdelay $0x2  }
0xeb: {  	v1 =	vbroadcast v1, $0x7;
	_ =	sdelay $0x1  }
0xec: {  	s23 =	sadd.s32 $0x1, s23;
	v1 =	vmul.f32 v2, v1  }
0xed: {  	p0 =	sne.s32 s23, $0x7D  }
.Ltmp2:
0xee: {  	[tilespmem:s25+$0x30] =	vst v1;
	(pc) =	sbr.rel @p0 .LBB2_2-.Ltmp2, $4  }
0xef: {  	[spmem:s3] =	stream.indirect.scatter.add.f32 [tilespmem:s21], [sflag:$0x2], $0x90, s16, s16, $0xb8;
	[tilespmem:$0x1C320] =	vst v63  }
0xf0: {  	_ =	swait.ge [sflag:s15], $0x2D00  }
0xf1: {  	[sflag:s15] =	ssyncset.done $0x0  }
0xf2: {  	[sflag:s15] =	ssyncadd.s32 $0xFFFFD300  }
0xf3: {  	s22 =	sadd.s32 $0x1, s22  }
0xf4: {  	p0 =	sne.s32 s22, s13  }
.Ltmp3:
0xf5: {  	[bflag:$0x0] =	sbarrier.arrive $0xFFFF;
	(pc) =	sbr.rel @p0 .LBB2_1-.Ltmp3, $4  }
0xf6: {  	[hbm:s12], [sflag:s10] =	dma.local [spmem:s14], $0x2C70  }
0xf7: {  	_ =	swait.ge [sflag:s15], $0x2C70  }
0xf8: {  	[sflag:s15] =	ssyncset.done $0x0  }
0xf9: {  	[sflag:s15] =	ssyncadd.s32 $0xFFFFD390  }
0xfa: {  	_ =	sfence.sel $0x180000  }
0xfb: {  	[bflag:$0x0] =	sbarrier.arrive $0xFFFF  }
0xfc: {  	p0 =	sne.s32 s1, $0x0;
	_ =	strace $0x90000047  }
0xfd: {  	s0 =	sadd.s32 @!p0 $0x100000, s0;
	[bflag:$0x2] =	sbarrier.arrive $0xFFFF  }
0xfe: {  	[sflag:s0] =	ssyncadd.tile.s32 @!p0 $0x1;
	_ =	shalt  }
.Lfunc_end2:
_tile_overlayer_lowered:
.L_overlay_start_2:
0xff: {  	(tag) =	ssettag $0x2  }
0x100: {  	s0 =	rddreg [dreg:$0x0];
	s2 =	stileid.u32  }
0x101: {  	s1 =	rddreg [dreg:$0x1];
	p0 =	sne.s32 s2, $0x0  }
0x102: {  	s3 =	rddreg [dreg:$0x2];
	[bflag:$0x3] =	sbarrier.arrive $0xFFFF;
	s2 =	simm.s32 @!p0 $0x1C02  }
0x103: {  	[timem:s3], [sflag:s2] =	dma.local @!p0 [hbm:s0], s1  }
0x104: {  	s0 =	simm.s32 @!p0 $0x2  }
0x105: {  	_ =	swait.ge @!p0 [sflag:s0], s1  }
0x106: {  	s1 =	ssub.s32 @!p0 $0x0, s1;
	[sflag:s0] =	ssyncset.done @!p0 $0x0  }
0x107: {  	[sflag:s0] =	ssyncadd.s32 @!p0 s1  }
0x108: {  	[bflag:$0x3] =	sbarrier.arrive $0xFFFF  }
0x109: {  	_ =	shalt  }

</sc_bundles>
